<compile_context>
chip_gen: v7x
topology: tpu7x:2x2x1
jax: 0.10.2.dev20260603
libtpu: 0.0.44.dev20260713+nightly
codegen_flags: <defaults>
</compile_context>

<pallas_src>
import functools

import jax
import jax.numpy as jnp
from jax import lax
from jax.experimental import pallas as pl
from jax.experimental.pallas import tpu as pltpu
from jax.experimental.pallas import tpu_sc as plsc

_D = 64
_T = 200
_B = 4096
_SCALE = 8.0

_info = plsc.get_sparse_core_info()
_NC, _NS, _L = _info.num_cores, _info.num_subcores, _info.num_lanes
_NW = _NC * _NS
_SEQ_PER_W = _B // _NW
_CHUNK_A = 128
_CHUNK_B = _T - _CHUNK_A
_DP = 128


@functools.partial(
    pl.kernel,
    mesh=plsc.VectorSubcoreMesh(core_axis_name="c", subcore_axis_name="s"),
    compiler_params=pltpu.CompilerParams(use_tc_tiling_on_sc=False),
    out_type=jax.ShapeDtypeStruct((_B * _T, _DP), jnp.float32),
    scratch_types=[
        pltpu.VMEM((_T, _D), jnp.float32),
        pltpu.VMEM((_SEQ_PER_W * _T,), jnp.int32),
        pltpu.VMEM((_T, _D), jnp.float32),
        pltpu.VMEM((_T, _D), jnp.float32),
        pltpu.VMEM((_T, _D), jnp.float32),
        pltpu.VMEM((_T, _D), jnp.float32),
        pltpu.SemaphoreType.DMA,
        pltpu.SemaphoreType.DMA,
        pltpu.SemaphoreType.DMA,
        pltpu.SemaphoreType.DMA,
    ],
)
def _embed(x_hbm, tok_hbm, pos_hbm, out_hbm,
           pos_v, idx_v, rin0, rin1, rout0, rout1, gs0, gs1, ss0, ss1):
    rin = (rin0, rin1)
    rout = (rout0, rout1)
    gsem = (gs0, gs1)
    ssem = (ss0, ss1)
    wid = lax.axis_index("s") * _NC + lax.axis_index("c")
    seq0 = wid * _SEQ_PER_W

    pltpu.sync_copy(pos_hbm.at[pl.ds(0, _T)], pos_v)
    pltpu.sync_copy(x_hbm.at[pl.ds(seq0 * _T, _SEQ_PER_W * _T)], idx_v)

    def issue_gather(b, s):
        off = s * _T
        pltpu.async_copy(
            tok_hbm.at[idx_v.at[pl.ds(off, _CHUNK_A)]],
            rin[b].at[pl.ds(0, _CHUNK_A)], gsem[b])
        pltpu.async_copy(
            tok_hbm.at[idx_v.at[pl.ds(off + _CHUNK_A, _CHUNK_B)]],
            rin[b].at[pl.ds(_CHUNK_A, _CHUNK_B)], gsem[b])

    def wait_gather(b):
        pltpu.make_async_copy(tok_hbm.at[pl.ds(0, _T)], rin[b], gsem[b]).wait()

    def issue_store(b, s):
        pltpu.async_copy(
            rout[b],
            out_hbm.at[pl.ds((seq0 + s) * _T, _T), pl.ds(0, _D)], ssem[b])

    def wait_store(b):
        pltpu.make_async_copy(
            rout[b], out_hbm.at[pl.ds(0, _T), pl.ds(0, _D)], ssem[b]).wait()

    for b in range(2):
        issue_gather(b, b)

    def round_body(k, carry):
        for b in range(2):
            s = k * 2 + b
            wait_gather(b)

            @pl.when(k > 0)
            def _():
                wait_store(b)

            rin_b, rout_b = rin[b], rout[b]

            @plsc.parallel_loop(0, _T, unroll=8)
            def _(r):
                for j in range(_D // _L):
                    sl = pl.ds(j * _L, _L)
                    rout_b[r, sl] = rin_b[r, sl] * _SCALE + pos_v[r, sl]

            @pl.when(s + 2 < _SEQ_PER_W)
            def _():
                issue_gather(b, s + 2)

            issue_store(b, s)
        return carry

    lax.fori_loop(0, _SEQ_PER_W // 2, round_body, 0)
    for b in range(2):
        wait_store(b)


def kernel(x, token_table, pos_table):
    b, t = x.shape
    out = _embed(x.reshape(b * t).astype(jnp.int32), token_table, pos_table)
    return out[:, :_D].reshape(b, t, _D)

# --- scband reference (transcript-rebuilt; emitter-appended) ---
"""Pipeline reference for scband-text-embed-27951647162544 (READ-ONLY COPY).

The authoritative reference and input builder live on the scoring server;
editing this copy changes nothing except your own understanding.
"""

import jax, jax.numpy as jnp
import numpy as np

N_VOCAB = 1000000
MAX_T = 1000
D_MODEL = 64
B = 4096
T = 200

def setup_inputs(seed: int = 0) -> dict:
    key = jax.random.key(seed)
    k1, k2, k3 = jax.random.split(key, 3)
    x = jax.random.randint(k1, (B, T), 0, N_VOCAB, dtype=jnp.int64 if jax.config.jax_enable_x64 else jnp.int32)
    token_table = jax.random.normal(k2, (N_VOCAB, D_MODEL), dtype=jnp.float32) * 0.02
    pos_table = jax.random.normal(k3, (MAX_T, D_MODEL), dtype=jnp.float32) * 0.02
    return {"x": x, "token_table": token_table, "pos_table": pos_table}

def reference(x, token_table, pos_table):
    # token_vec = token_embed(x) * sqrt(d_model)
    Tcur = x.shape[1]
    token_vec = jnp.take(token_table, x, axis=0) * jnp.sqrt(jnp.float32(D_MODEL))
    pos_idx = jnp.arange(Tcur)[None, :]
    pos_vec = jnp.take(pos_table, pos_idx, axis=0)
    return token_vec + pos_vec

if __name__ == "__main__":
    import jax
    _d = setup_inputs()
    print(jax.jit(kernel)(*tuple(_d.values())))

</pallas_src>

<mosaic_0001>
#map = affine_map<(d0, d1) -> (0)>
#map1 = affine_map<(d0, d1) -> (0, 0)>
module attributes {stable_mosaic.version = 14 : i64} {
  func.func @_embed(%arg0: i32, %arg1: i32, %arg2: memref<819200xi32, #tpu.memory_space<hbm>>, %arg3: memref<1000000x64xf32, #tpu.memory_space<hbm>>, %arg4: memref<1000x64xf32, #tpu.memory_space<hbm>>, %arg5: memref<819200x128xf32, #tpu.memory_space<hbm>>, %arg6: memref<200x64xf32, #tpu.memory_space<vmem>>, %arg7: memref<25600xi32, #tpu.memory_space<vmem>>, %arg8: memref<200x64xf32, #tpu.memory_space<vmem>>, %arg9: memref<200x64xf32, #tpu.memory_space<vmem>>, %arg10: memref<200x64xf32, #tpu.memory_space<vmem>>, %arg11: memref<200x64xf32, #tpu.memory_space<vmem>>, %arg12: memref<!tpu.dma_semaphore, #tpu.memory_space<semaphore_mem>>, %arg13: memref<!tpu.dma_semaphore, #tpu.memory_space<semaphore_mem>>, %arg14: memref<!tpu.dma_semaphore, #tpu.memory_space<semaphore_mem>>, %arg15: memref<!tpu.dma_semaphore, #tpu.memory_space<semaphore_mem>>) attributes {dimension_semantics = [#tpu.dimension_semantics<core_parallel>, #tpu.dimension_semantics<subcore_parallel>], iteration_bounds = array<i64: 2, 16>, scalar_prefetch = 0 : i64, scratch_operands = 10 : i64, tpu.core_type = #tpu.core_type<sc_vector_subcore>, window_params = [{transform_indices = #map}, {transform_indices = #map1}, {transform_indices = #map1}, {transform_indices = #map1}]} {
    %mul3A = arith.constant 2 : i32
    %mul3A_0 = arith.muli %arg1, %mul3A : i32
    %add3A = arith.addi %mul3A_0, %arg0 : i32
    %mul3A_1 = arith.constant 128 : i32
    %mul3A_2 = arith.muli %add3A, %mul3A_1 : i32
    "tpu.region"() ({
      %run_scoped3A = tpu.sem_alloc : memref<!tpu.dma_semaphore, #tpu.memory_space<semaphore_mem>>
      %dma_start3A_52 = arith.constant 0 : i32
      %dma_start3A_53 = arith.constant 0 : i32
      %dma_start3A_54 = tpu.memref_slice %arg4[%dma_start3A_52, %dma_start3A_53] : memref<1000x64xf32, #tpu.memory_space<hbm>> -> memref<200x64xf32, #tpu.memory_space<hbm>>
      %dma_start3A_55 = arith.constant 0 : i32
      %dma_start3A_56 = arith.constant 0 : i32
      %dma_start3A_57 = tpu.memref_slice %arg4[%dma_start3A_55, %dma_start3A_56] : memref<1000x64xf32, #tpu.memory_space<hbm>> -> memref<200x64xf32, #tpu.memory_space<hbm>>
      tpu.enqueue_dma source(%dma_start3A_57 : memref<200x64xf32, #tpu.memory_space<hbm>>) target(%arg6 : memref<200x64xf32, #tpu.memory_space<vmem>>) target_semaphore(%run_scoped3A : memref<!tpu.dma_semaphore, #tpu.memory_space<semaphore_mem>>)
      %dma_wait3A_58 = arith.constant 0 : i32
      %dma_wait3A_59 = arith.constant 0 : i32
      %dma_wait3A_60 = tpu.memref_slice %arg4[%dma_wait3A_58, %dma_wait3A_59] : memref<1000x64xf32, #tpu.memory_space<hbm>> -> memref<200x64xf32, #tpu.memory_space<hbm>>
      %dma_wait3A_61 = arith.constant 0 : i32
      %dma_wait3A_62 = arith.constant 0 : i32
      %dma_wait3A_63 = tpu.memref_slice %arg4[%dma_wait3A_61, %dma_wait3A_62] : memref<1000x64xf32, #tpu.memory_space<hbm>> -> memref<200x64xf32, #tpu.memory_space<hbm>>
      tpu.wait_dma2 semaphore(%run_scoped3A : memref<!tpu.dma_semaphore, #tpu.memory_space<semaphore_mem>>) src(%dma_wait3A_63 : memref<200x64xf32, #tpu.memory_space<hbm>>) dst(%arg6 : memref<200x64xf32, #tpu.memory_space<vmem>>)
      tpu.yield
    }) : () -> ()
    %mul3A_3 = arith.constant 200 : i32
    %mul3A_4 = arith.muli %mul3A_2, %mul3A_3 : i32
    "tpu.region"() ({
      %run_scoped3A = tpu.sem_alloc : memref<!tpu.dma_semaphore, #tpu.memory_space<semaphore_mem>>
      %dma_start3A_52 = tpu.memref_slice %arg2[%mul3A_4] : memref<819200xi32, #tpu.memory_space<hbm>> -> memref<25600xi32, #tpu.memory_space<hbm>>
      %dma_start3A_53 = tpu.memref_slice %arg2[%mul3A_4] : memref<819200xi32, #tpu.memory_space<hbm>> -> memref<25600xi32, #tpu.memory_space<hbm>>
      tpu.enqueue_dma source(%dma_start3A_53 : memref<25600xi32, #tpu.memory_space<hbm>>) target(%arg7 : memref<25600xi32, #tpu.memory_space<vmem>>) target_semaphore(%run_scoped3A : memref<!tpu.dma_semaphore, #tpu.memory_space<semaphore_mem>>)
      %dma_wait3A_54 = tpu.memref_slice %arg2[%mul3A_4] : memref<819200xi32, #tpu.memory_space<hbm>> -> memref<25600xi32, #tpu.memory_space<hbm>>
      %dma_wait3A_55 = tpu.memref_slice %arg2[%mul3A_4] : memref<819200xi32, #tpu.memory_space<hbm>> -> memref<25600xi32, #tpu.memory_space<hbm>>
      tpu.wait_dma2 semaphore(%run_scoped3A : memref<!tpu.dma_semaphore, #tpu.memory_space<semaphore_mem>>) src(%dma_wait3A_55 : memref<25600xi32, #tpu.memory_space<hbm>>) dst(%arg7 : memref<25600xi32, #tpu.memory_space<vmem>>)
      tpu.yield
    }) : () -> ()
    %dma_start3A = arith.constant 0 : i32
    %dma_start3A_5 = arith.constant 0 : i32
    %dma_start3A_6 = tpu.memref_slice %arg8[%dma_start3A, %dma_start3A_5] : memref<200x64xf32, #tpu.memory_space<vmem>> -> memref<128x64xf32, #tpu.memory_space<vmem>>
    %dma_start3A_7 = arith.constant 0 : i32
    %dma_start3A_8 = tpu.memref_slice %arg7[%dma_start3A_7] : memref<25600xi32, #tpu.memory_space<vmem>> -> memref<128xi32, #tpu.memory_space<vmem>>
    %dma_start3A_9 = arith.constant 0 : i32
    %dma_start3A_10 = arith.constant 0 : i32
    %dma_start3A_11 = tpu.memref_slice %arg3[%dma_start3A_9, %dma_start3A_10] : memref<1000000x64xf32, #tpu.memory_space<hbm>> -> memref<1000000x64xf32, #tpu.memory_space<hbm>>
    tpu.enqueue_indirect_dma source(%dma_start3A_11 : memref<1000000x64xf32, #tpu.memory_space<hbm>>) target(%dma_start3A_6 : memref<128x64xf32, #tpu.memory_space<vmem>>) offsets(%dma_start3A_8 : memref<128xi32, #tpu.memory_space<vmem>>) semaphore(%arg12 : memref<!tpu.dma_semaphore, #tpu.memory_space<semaphore_mem>>)
    %dma_start3A_12 = arith.constant 128 : i32
    %dma_start3A_13 = arith.constant 0 : i32
    %dma_start3A_14 = tpu.memref_slice %arg8[%dma_start3A_12, %dma_start3A_13] : memref<200x64xf32, #tpu.memory_space<vmem>> -> memref<72x64xf32, #tpu.memory_space<vmem>>
    %dma_start3A_15 = arith.constant 128 : i32
    %dma_start3A_16 = tpu.memref_slice %arg7[%dma_start3A_15] : memref<25600xi32, #tpu.memory_space<vmem>> -> memref<72xi32, #tpu.memory_space<vmem>>
    %dma_start3A_17 = arith.constant 0 : i32
    %dma_start3A_18 = arith.constant 0 : i32
    %dma_start3A_19 = tpu.memref_slice %arg3[%dma_start3A_17, %dma_start3A_18] : memref<1000000x64xf32, #tpu.memory_space<hbm>> -> memref<1000000x64xf32, #tpu.memory_space<hbm>>
    tpu.enqueue_indirect_dma source(%dma_start3A_19 : memref<1000000x64xf32, #tpu.memory_space<hbm>>) target(%dma_start3A_14 : memref<72x64xf32, #tpu.memory_space<vmem>>) offsets(%dma_start3A_16 : memref<72xi32, #tpu.memory_space<vmem>>) semaphore(%arg12 : memref<!tpu.dma_semaphore, #tpu.memory_space<semaphore_mem>>)
    %dma_start3A_20 = arith.constant 0 : i32
    %dma_start3A_21 = arith.constant 0 : i32
    %dma_start3A_22 = tpu.memref_slice %arg9[%dma_start3A_20, %dma_start3A_21] : memref<200x64xf32, #tpu.memory_space<vmem>> -> memref<128x64xf32, #tpu.memory_space<vmem>>
    %dma_start3A_23 = arith.constant 200 : i32
    %dma_start3A_24 = tpu.memref_slice %arg7[%dma_start3A_23] : memref<25600xi32, #tpu.memory_space<vmem>> -> memref<128xi32, #tpu.memory_space<vmem>>
    %dma_start3A_25 = arith.constant 0 : i32
    %dma_start3A_26 = arith.constant 0 : i32
    %dma_start3A_27 = tpu.memref_slice %arg3[%dma_start3A_25, %dma_start3A_26] : memref<1000000x64xf32, #tpu.memory_space<hbm>> -> memref<1000000x64xf32, #tpu.memory_space<hbm>>
    tpu.enqueue_indirect_dma source(%dma_start3A_27 : memref<1000000x64xf32, #tpu.memory_space<hbm>>) target(%dma_start3A_22 : memref<128x64xf32, #tpu.memory_space<vmem>>) offsets(%dma_start3A_24 : memref<128xi32, #tpu.memory_space<vmem>>) semaphore(%arg13 : memref<!tpu.dma_semaphore, #tpu.memory_space<semaphore_mem>>)
    %dma_start3A_28 = arith.constant 128 : i32
    %dma_start3A_29 = arith.constant 0 : i32
    %dma_start3A_30 = tpu.memref_slice %arg9[%dma_start3A_28, %dma_start3A_29] : memref<200x64xf32, #tpu.memory_space<vmem>> -> memref<72x64xf32, #tpu.memory_space<vmem>>
    %dma_start3A_31 = arith.constant 328 : i32
    %dma_start3A_32 = tpu.memref_slice %arg7[%dma_start3A_31] : memref<25600xi32, #tpu.memory_space<vmem>> -> memref<72xi32, #tpu.memory_space<vmem>>
    %dma_start3A_33 = arith.constant 0 : i32
    %dma_start3A_34 = arith.constant 0 : i32
    %dma_start3A_35 = tpu.memref_slice %arg3[%dma_start3A_33, %dma_start3A_34] : memref<1000000x64xf32, #tpu.memory_space<hbm>> -> memref<1000000x64xf32, #tpu.memory_space<hbm>>
    tpu.enqueue_indirect_dma source(%dma_start3A_35 : memref<1000000x64xf32, #tpu.memory_space<hbm>>) target(%dma_start3A_30 : memref<72x64xf32, #tpu.memory_space<vmem>>) offsets(%dma_start3A_32 : memref<72xi32, #tpu.memory_space<vmem>>) semaphore(%arg13 : memref<!tpu.dma_semaphore, #tpu.memory_space<semaphore_mem>>)
    %scan3A = arith.constant 0 : i32
    %scan3A_36 = arith.constant 0 : i32
    %scan3A_37 = arith.constant 64 : i32
    %scan3A_38 = arith.addi %scan3A_36, %scan3A_37 : i32
    %scan3A_39 = arith.constant 1 : i32
    scf.for %scan3A_52 = %scan3A_36 to %scan3A_38 step %scan3A_39  : i32 {
      %mul3A_53 = arith.constant 2 : i32
      %mul3A_54 = arith.muli %scan3A_52, %mul3A_53 : i32
      %add3A_55 = arith.constant 0 : i32
      %add3A_56 = arith.addi %mul3A_54, %add3A_55 : i32
      %dma_wait3A_57 = arith.constant 0 : i32
      %dma_wait3A_58 = arith.constant 0 : i32
      %dma_wait3A_59 = tpu.memref_slice %arg3[%dma_wait3A_57, %dma_wait3A_58] : memref<1000000x64xf32, #tpu.memory_space<hbm>> -> memref<200x64xf32, #tpu.memory_space<hbm>>
      %dma_wait3A_60 = arith.constant 0 : i32
      %dma_wait3A_61 = arith.constant 0 : i32
      %dma_wait3A_62 = tpu.memref_slice %arg3[%dma_wait3A_60, %dma_wait3A_61] : memref<1000000x64xf32, #tpu.memory_space<hbm>> -> memref<200x64xf32, #tpu.memory_space<hbm>>
      tpu.wait_dma2 semaphore(%arg12 : memref<!tpu.dma_semaphore, #tpu.memory_space<semaphore_mem>>) src(%dma_wait3A_62 : memref<200x64xf32, #tpu.memory_space<hbm>>) dst(%arg8 : memref<200x64xf32, #tpu.memory_space<vmem>>)
      %gt3A = arith.constant 0 : i32
      %gt3A_63 = arith.cmpi sgt, %scan3A_52, %gt3A : i32
      %convert_element_type3A = arith.extui %gt3A_63 : i1 to i32
      %cond3A = arith.constant 0 : i32
      %cond3A_64 = arith.cmpi ne, %convert_element_type3A, %cond3A : i32
      scf.if %cond3A_64 {
        %dma_wait3A_112 = arith.constant 0 : i32
        %dma_wait3A_113 = arith.constant 0 : i32
        %dma_wait3A_114 = tpu.memref_slice %arg5[%dma_wait3A_112, %dma_wait3A_113] : memref<819200x128xf32, #tpu.memory_space<hbm>> -> memref<200x64xf32, #tpu.memory_space<hbm>>
        %dma_wait3A_115 = arith.constant 0 : i32
        %dma_wait3A_116 = arith.constant 0 : i32
        %dma_wait3A_117 = tpu.memref_slice %arg5[%dma_wait3A_115, %dma_wait3A_116] : memref<819200x128xf32, #tpu.memory_space<hbm>> -> memref<200x64xf32, #tpu.memory_space<hbm>>
        tpu.wait_dma2 semaphore(%arg14 : memref<!tpu.dma_semaphore, #tpu.memory_space<semaphore_mem>>) src(%arg10 : memref<200x64xf32, #tpu.memory_space<vmem>>) dst(%dma_wait3A_117 : memref<200x64xf32, #tpu.memory_space<hbm>>)
      } else {
      }
      %parallel_loop3A = arith.constant 0 : i32
      %parallel_loop3A_65 = arith.constant 200 : i32
      %parallel_loop3A_66 = arith.constant 1 : i32
      scf.for %parallel_loop3A_112 = %parallel_loop3A to %parallel_loop3A_65 step %parallel_loop3A_66  : i32 {
        %parallel_loop3A_113 = arith.index_cast %parallel_loop3A_112 : i32 to index
        %parallel_loop3A_114 = arith.constant 0 : index
        %parallel_loop3A_115 = tpu.vector_load %arg8[%parallel_loop3A_113, %parallel_loop3A_114] {strides = array<i32>} : memref<200x64xf32, #tpu.memory_space<vmem>>, vector<1x16xf32>,
        %parallel_loop3A_116 = vector.shape_cast %parallel_loop3A_115 : vector<1x16xf32> to vector<16xf32>
        %parallel_loop3A_117 = arith.constant 8.000000e+00 : f32
        %parallel_loop3A_118 = vector.broadcast %parallel_loop3A_117 : f32 to vector<16xf32>
        %parallel_loop3A_119 = arith.mulf %parallel_loop3A_116, %parallel_loop3A_118 : vector<16xf32>
        %parallel_loop3A_120 = arith.index_cast %parallel_loop3A_112 : i32 to index
        %parallel_loop3A_121 = arith.constant 0 : index
        %parallel_loop3A_122 = tpu.vector_load %arg6[%parallel_loop3A_120, %parallel_loop3A_121] {strides = array<i32>} : memref<200x64xf32, #tpu.memory_space<vmem>>, vector<1x16xf32>,
        %parallel_loop3A_123 = vector.shape_cast %parallel_loop3A_122 : vector<1x16xf32> to vector<16xf32>
        %parallel_loop3A_124 = arith.addf %parallel_loop3A_119, %parallel_loop3A_123 : vector<16xf32>
        %parallel_loop3A_125 = arith.index_cast %parallel_loop3A_112 : i32 to index
        %parallel_loop3A_126 = arith.constant 0 : index
        %parallel_loop3A_127 = tpu.vector_load %arg10[%parallel_loop3A_125, %parallel_loop3A_126] {strides = array<i32>} : memref<200x64xf32, #tpu.memory_space<vmem>>, vector<1x16xf32>,
        %parallel_loop3A_128 = vector.shape_cast %parallel_loop3A_127 : vector<1x16xf32> to vector<16xf32>
        %parallel_loop3A_129 = vector.shape_cast %parallel_loop3A_124 : vector<16xf32> to vector<1x16xf32>
        tpu.vector_store %arg10[%parallel_loop3A_125, %parallel_loop3A_126], %parallel_loop3A_129 {strides = array<i32>} : memref<200x64xf32, #tpu.memory_space<vmem>>, vector<1x16xf32>,
        %parallel_loop3A_130 = arith.index_cast %parallel_loop3A_112 : i32 to index
        %parallel_loop3A_131 = arith.constant 16 : index
        %parallel_loop3A_132 = tpu.vector_load %arg8[%parallel_loop3A_130, %parallel_loop3A_131] {strides = array<i32>} : memref<200x64xf32, #tpu.memory_space<vmem>>, vector<1x16xf32>,
        %parallel_loop3A_133 = vector.shape_cast %parallel_loop3A_132 : vector<1x16xf32> to vector<16xf32>
        %parallel_loop3A_134 = arith.constant 8.000000e+00 : f32
        %parallel_loop3A_135 = vector.broadcast %parallel_loop3A_134 : f32 to vector<16xf32>
        %parallel_loop3A_136 = arith.mulf %parallel_loop3A_133, %parallel_loop3A_135 : vector<16xf32>
        %parallel_loop3A_137 = arith.index_cast %parallel_loop3A_112 : i32 to index
        %parallel_loop3A_138 = arith.constant 16 : index
        %parallel_loop3A_139 = tpu.vector_load %arg6[%parallel_loop3A_137, %parallel_loop3A_138] {strides = array<i32>} : memref<200x64xf32, #tpu.memory_space<vmem>>, vector<1x16xf32>,
        %parallel_loop3A_140 = vector.shape_cast %parallel_loop3A_139 : vector<1x16xf32> to vector<16xf32>
        %parallel_loop3A_141 = arith.addf %parallel_loop3A_136, %parallel_loop3A_140 : vector<16xf32>
        %parallel_loop3A_142 = arith.index_cast %parallel_loop3A_112 : i32 to index
        %parallel_loop3A_143 = arith.constant 16 : index
        %parallel_loop3A_144 = tpu.vector_load %arg10[%parallel_loop3A_142, %parallel_loop3A_143] {strides = array<i32>} : memref<200x64xf32, #tpu.memory_space<vmem>>, vector<1x16xf32>,
        %parallel_loop3A_145 = vector.shape_cast %parallel_loop3A_144 : vector<1x16xf32> to vector<16xf32>
        %parallel_loop3A_146 = vector.shape_cast %parallel_loop3A_141 : vector<16xf32> to vector<1x16xf32>
        tpu.vector_store %arg10[%parallel_loop3A_142, %parallel_loop3A_143], %parallel_loop3A_146 {strides = array<i32>} : memref<200x64xf32, #tpu.memory_space<vmem>>, vector<1x16xf32>,
        %parallel_loop3A_147 = arith.index_cast %parallel_loop3A_112 : i32 to index
        %parallel_loop3A_148 = arith.constant 32 : index
        %parallel_loop3A_149 = tpu.vector_load %arg8[%parallel_loop3A_147, %parallel_loop3A_148] {strides = array<i32>} : memref<200x64xf32, #tpu.memory_space<vmem>>, vector<1x16xf32>,
        %parallel_loop3A_150 = vector.shape_cast %parallel_loop3A_149 : vector<1x16xf32> to vector<16xf32>
        %parallel_loop3A_151 = arith.constant 8.000000e+00 : f32
        %parallel_loop3A_152 = vector.broadcast %parallel_loop3A_151 : f32 to vector<16xf32>
        %parallel_loop3A_153 = arith.mulf %parallel_loop3A_150, %parallel_loop3A_152 : vector<16xf32>
        %parallel_loop3A_154 = arith.index_cast %parallel_loop3A_112 : i32 to index
        %parallel_loop3A_155 = arith.constant 32 : index
        %parallel_loop3A_156 = tpu.vector_load %arg6[%parallel_loop3A_154, %parallel_loop3A_155] {strides = array<i32>} : memref<200x64xf32, #tpu.memory_space<vmem>>, vector<1x16xf32>,
        %parallel_loop3A_157 = vector.shape_cast %parallel_loop3A_156 : vector<1x16xf32> to vector<16xf32>
        %parallel_loop3A_158 = arith.addf %parallel_loop3A_153, %parallel_loop3A_157 : vector<16xf32>
        %parallel_loop3A_159 = arith.index_cast %parallel_loop3A_112 : i32 to index
        %parallel_loop3A_160 = arith.constant 32 : index
        %parallel_loop3A_161 = tpu.vector_load %arg10[%parallel_loop3A_159, %parallel_loop3A_160] {strides = array<i32>} : memref<200x64xf32, #tpu.memory_space<vmem>>, vector<1x16xf32>,
        %parallel_loop3A_162 = vector.shape_cast %parallel_loop3A_161 : vector<1x16xf32> to vector<16xf32>
        %parallel_loop3A_163 = vector.shape_cast %parallel_loop3A_158 : vector<16xf32> to vector<1x16xf32>
        tpu.vector_store %arg10[%parallel_loop3A_159, %parallel_loop3A_160], %parallel_loop3A_163 {strides = array<i32>} : memref<200x64xf32, #tpu.memory_space<vmem>>, vector<1x16xf32>,
        %parallel_loop3A_164 = arith.index_cast %parallel_loop3A_112 : i32 to index
        %parallel_loop3A_165 = arith.constant 48 : index
        %parallel_loop3A_166 = tpu.vector_load %arg8[%parallel_loop3A_164, %parallel_loop3A_165] {strides = array<i32>} : memref<200x64xf32, #tpu.memory_space<vmem>>, vector<1x16xf32>,
        %parallel_loop3A_167 = vector.shape_cast %parallel_loop3A_166 : vector<1x16xf32> to vector<16xf32>
        %parallel_loop3A_168 = arith.constant 8.000000e+00 : f32
        %parallel_loop3A_169 = vector.broadcast %parallel_loop3A_168 : f32 to vector<16xf32>
        %parallel_loop3A_170 = arith.mulf %parallel_loop3A_167, %parallel_loop3A_169 : vector<16xf32>
        %parallel_loop3A_171 = arith.index_cast %parallel_loop3A_112 : i32 to index
        %parallel_loop3A_172 = arith.constant 48 : index
        %parallel_loop3A_173 = tpu.vector_load %arg6[%parallel_loop3A_171, %parallel_loop3A_172] {strides = array<i32>} : memref<200x64xf32, #tpu.memory_space<vmem>>, vector<1x16xf32>,
        %parallel_loop3A_174 = vector.shape_cast %parallel_loop3A_173 : vector<1x16xf32> to vector<16xf32>
        %parallel_loop3A_175 = arith.addf %parallel_loop3A_170, %parallel_loop3A_174 : vector<16xf32>
        %parallel_loop3A_176 = arith.index_cast %parallel_loop3A_112 : i32 to index
        %parallel_loop3A_177 = arith.constant 48 : index
        %parallel_loop3A_178 = tpu.vector_load %arg10[%parallel_loop3A_176, %parallel_loop3A_177] {strides = array<i32>} : memref<200x64xf32, #tpu.memory_space<vmem>>, vector<1x16xf32>,
        %parallel_loop3A_179 = vector.shape_cast %parallel_loop3A_178 : vector<1x16xf32> to vector<16xf32>
        %parallel_loop3A_180 = vector.shape_cast %parallel_loop3A_175 : vector<16xf32> to vector<1x16xf32>
        tpu.vector_store %arg10[%parallel_loop3A_176, %parallel_loop3A_177], %parallel_loop3A_180 {strides = array<i32>} : memref<200x64xf32, #tpu.memory_space<vmem>>, vector<1x16xf32>,
      } {sc.loop_unroll_factor = 8 : i64, sc.parallel_access}
      %add3A_67 = arith.constant 2 : i32
      %add3A_68 = arith.addi %add3A_56, %add3A_67 : i32
      %lt3A = arith.constant 128 : i32
      %lt3A_69 = arith.cmpi slt, %add3A_68, %lt3A : i32
      %convert_element_type3A_70 = arith.extui %lt3A_69 : i1 to i32
      %cond3A_71 = arith.constant 0 : i32
      %cond3A_72 = arith.cmpi ne, %convert_element_type3A_70, %cond3A_71 : i32
      scf.if %cond3A_72 {
        %add3A_112 = arith.constant 2 : i32
        %add3A_113 = arith.addi %add3A_56, %add3A_112 : i32
        %mul3A_114 = arith.constant 200 : i32
        %mul3A_115 = arith.muli %add3A_113, %mul3A_114 : i32
        %dma_start3A_116 = arith.constant 0 : i32
        %dma_start3A_117 = arith.constant 0 : i32
        %dma_start3A_118 = tpu.memref_slice %arg8[%dma_start3A_116, %dma_start3A_117] : memref<200x64xf32, #tpu.memory_space<vmem>> -> memref<128x64xf32, #tpu.memory_space<vmem>>
        %dma_start3A_119 = tpu.memref_slice %arg7[%mul3A_115] : memref<25600xi32, #tpu.memory_space<vmem>> -> memref<128xi32, #tpu.memory_space<vmem>>
        %dma_start3A_120 = arith.constant 0 : i32
        %dma_start3A_121 = arith.constant 0 : i32
        %dma_start3A_122 = tpu.memref_slice %arg3[%dma_start3A_120, %dma_start3A_121] : memref<1000000x64xf32, #tpu.memory_space<hbm>> -> memref<1000000x64xf32, #tpu.memory_space<hbm>>
        tpu.enqueue_indirect_dma source(%dma_start3A_122 : memref<1000000x64xf32, #tpu.memory_space<hbm>>) target(%dma_start3A_118 : memref<128x64xf32, #tpu.memory_space<vmem>>) offsets(%dma_start3A_119 : memref<128xi32, #tpu.memory_space<vmem>>) semaphore(%arg12 : memref<!tpu.dma_semaphore, #tpu.memory_space<semaphore_mem>>)
        %add3A_123 = arith.constant 128 : i32
        %add3A_124 = arith.addi %mul3A_115, %add3A_123 : i32
        %dma_start3A_125 = arith.constant 128 : i32
        %dma_start3A_126 = arith.constant 0 : i32
        %dma_start3A_127 = tpu.memref_slice %arg8[%dma_start3A_125, %dma_start3A_126] : memref<200x64xf32, #tpu.memory_space<vmem>> -> memref<72x64xf32, #tpu.memory_space<vmem>>
        %dma_start3A_128 = tpu.memref_slice %arg7[%add3A_124] : memref<25600xi32, #tpu.memory_space<vmem>> -> memref<72xi32, #tpu.memory_space<vmem>>
        %dma_start3A_129 = arith.constant 0 : i32
        %dma_start3A_130 = arith.constant 0 : i32
        %dma_start3A_131 = tpu.memref_slice %arg3[%dma_start3A_129, %dma_start3A_130] : memref<1000000x64xf32, #tpu.memory_space<hbm>> -> memref<1000000x64xf32, #tpu.memory_space<hbm>>
        tpu.enqueue_indirect_dma source(%dma_start3A_131 : memref<1000000x64xf32, #tpu.memory_space<hbm>>) target(%dma_start3A_127 : memref<72x64xf32, #tpu.memory_space<vmem>>) offsets(%dma_start3A_128 : memref<72xi32, #tpu.memory_space<vmem>>) semaphore(%arg12 : memref<!tpu.dma_semaphore, #tpu.memory_space<semaphore_mem>>)
      } else {
      }
      %add3A_73 = arith.addi %mul3A_2, %add3A_56 : i32
      %mul3A_74 = arith.constant 200 : i32
      %mul3A_75 = arith.muli %add3A_73, %mul3A_74 : i32
      %dma_start3A_76 = arith.constant 0 : i32
      %dma_start3A_77 = tpu.memref_slice %arg5[%mul3A_75, %dma_start3A_76] : memref<819200x128xf32, #tpu.memory_space<hbm>> -> memref<200x64xf32, #tpu.memory_space<hbm>>
      %dma_start3A_78 = arith.constant 0 : i32
      %dma_start3A_79 = tpu.memref_slice %arg5[%mul3A_75, %dma_start3A_78] : memref<819200x128xf32, #tpu.memory_space<hbm>> -> memref<200x64xf32, #tpu.memory_space<hbm>>
      tpu.enqueue_dma source(%arg10 : memref<200x64xf32, #tpu.memory_space<vmem>>) target(%dma_start3A_79 : memref<200x64xf32, #tpu.memory_space<hbm>>) target_semaphore(%arg14 : memref<!tpu.dma_semaphore, #tpu.memory_space<semaphore_mem>>)
      %mul3A_80 = arith.constant 2 : i32
      %mul3A_81 = arith.muli %scan3A_52, %mul3A_80 : i32
      %add3A_82 = arith.constant 1 : i32
      %add3A_83 = arith.addi %mul3A_81, %add3A_82 : i32
      %dma_wait3A_84 = arith.constant 0 : i32
      %dma_wait3A_85 = arith.constant 0 : i32
      %dma_wait3A_86 = tpu.memref_slice %arg3[%dma_wait3A_84, %dma_wait3A_85] : memref<1000000x64xf32, #tpu.memory_space<hbm>> -> memref<200x64xf32, #tpu.memory_space<hbm>>
      %dma_wait3A_87 = arith.constant 0 : i32
      %dma_wait3A_88 = arith.constant 0 : i32
      %dma_wait3A_89 = tpu.memref_slice %arg3[%dma_wait3A_87, %dma_wait3A_88] : memref<1000000x64xf32, #tpu.memory_space<hbm>> -> memref<200x64xf32, #tpu.memory_space<hbm>>
      tpu.wait_dma2 semaphore(%arg13 : memref<!tpu.dma_semaphore, #tpu.memory_space<semaphore_mem>>) src(%dma_wait3A_89 : memref<200x64xf32, #tpu.memory_space<hbm>>) dst(%arg9 : memref<200x64xf32, #tpu.memory_space<vmem>>)
      %gt3A_90 = arith.constant 0 : i32
      %gt3A_91 = arith.cmpi sgt, %scan3A_52, %gt3A_90 : i32
      %convert_element_type3A_92 = arith.extui %gt3A_91 : i1 to i32
      %cond3A_93 = arith.constant 0 : i32
      %cond3A_94 = arith.cmpi ne, %convert_element_type3A_92, %cond3A_93 : i32
      scf.if %cond3A_94 {
        %dma_wait3A_112 = arith.constant 0 : i32
        %dma_wait3A_113 = arith.constant 0 : i32
        %dma_wait3A_114 = tpu.memref_slice %arg5[%dma_wait3A_112, %dma_wait3A_113] : memref<819200x128xf32, #tpu.memory_space<hbm>> -> memref<200x64xf32, #tpu.memory_space<hbm>>
        %dma_wait3A_115 = arith.constant 0 : i32
        %dma_wait3A_116 = arith.constant 0 : i32
        %dma_wait3A_117 = tpu.memref_slice %arg5[%dma_wait3A_115, %dma_wait3A_116] : memref<819200x128xf32, #tpu.memory_space<hbm>> -> memref<200x64xf32, #tpu.memory_space<hbm>>
        tpu.wait_dma2 semaphore(%arg15 : memref<!tpu.dma_semaphore, #tpu.memory_space<semaphore_mem>>) src(%arg11 : memref<200x64xf32, #tpu.memory_space<vmem>>) dst(%dma_wait3A_117 : memref<200x64xf32, #tpu.memory_space<hbm>>)
      } else {
      }
      %parallel_loop3A_95 = arith.constant 0 : i32
      %parallel_loop3A_96 = arith.constant 200 : i32
      %parallel_loop3A_97 = arith.constant 1 : i32
      scf.for %parallel_loop3A_112 = %parallel_loop3A_95 to %parallel_loop3A_96 step %parallel_loop3A_97  : i32 {
        %parallel_loop3A_113 = arith.index_cast %parallel_loop3A_112 : i32 to index
        %parallel_loop3A_114 = arith.constant 0 : index
        %parallel_loop3A_115 = tpu.vector_load %arg9[%parallel_loop3A_113, %parallel_loop3A_114] {strides = array<i32>} : memref<200x64xf32, #tpu.memory_space<vmem>>, vector<1x16xf32>,
        %parallel_loop3A_116 = vector.shape_cast %parallel_loop3A_115 : vector<1x16xf32> to vector<16xf32>
        %parallel_loop3A_117 = arith.constant 8.000000e+00 : f32
        %parallel_loop3A_118 = vector.broadcast %parallel_loop3A_117 : f32 to vector<16xf32>
        %parallel_loop3A_119 = arith.mulf %parallel_loop3A_116, %parallel_loop3A_118 : vector<16xf32>
        %parallel_loop3A_120 = arith.index_cast %parallel_loop3A_112 : i32 to index
        %parallel_loop3A_121 = arith.constant 0 : index
        %parallel_loop3A_122 = tpu.vector_load %arg6[%parallel_loop3A_120, %parallel_loop3A_121] {strides = array<i32>} : memref<200x64xf32, #tpu.memory_space<vmem>>, vector<1x16xf32>,
        %parallel_loop3A_123 = vector.shape_cast %parallel_loop3A_122 : vector<1x16xf32> to vector<16xf32>
        %parallel_loop3A_124 = arith.addf %parallel_loop3A_119, %parallel_loop3A_123 : vector<16xf32>
        %parallel_loop3A_125 = arith.index_cast %parallel_loop3A_112 : i32 to index
        %parallel_loop3A_126 = arith.constant 0 : index
        %parallel_loop3A_127 = tpu.vector_load %arg11[%parallel_loop3A_125, %parallel_loop3A_126] {strides = array<i32>} : memref<200x64xf32, #tpu.memory_space<vmem>>, vector<1x16xf32>,
        %parallel_loop3A_128 = vector.shape_cast %parallel_loop3A_127 : vector<1x16xf32> to vector<16xf32>
        %parallel_loop3A_129 = vector.shape_cast %parallel_loop3A_124 : vector<16xf32> to vector<1x16xf32>
        tpu.vector_store %arg11[%parallel_loop3A_125, %parallel_loop3A_126], %parallel_loop3A_129 {strides = array<i32>} : memref<200x64xf32, #tpu.memory_space<vmem>>, vector<1x16xf32>,
        %parallel_loop3A_130 = arith.index_cast %parallel_loop3A_112 : i32 to index
        %parallel_loop3A_131 = arith.constant 16 : index
        %parallel_loop3A_132 = tpu.vector_load %arg9[%parallel_loop3A_130, %parallel_loop3A_131] {strides = array<i32>} : memref<200x64xf32, #tpu.memory_space<vmem>>, vector<1x16xf32>,
        %parallel_loop3A_133 = vector.shape_cast %parallel_loop3A_132 : vector<1x16xf32> to vector<16xf32>
        %parallel_loop3A_134 = arith.constant 8.000000e+00 : f32
        %parallel_loop3A_135 = vector.broadcast %parallel_loop3A_134 : f32 to vector<16xf32>
        %parallel_loop3A_136 = arith.mulf %parallel_loop3A_133, %parallel_loop3A_135 : vector<16xf32>
        %parallel_loop3A_137 = arith.index_cast %parallel_loop3A_112 : i32 to index
        %parallel_loop3A_138 = arith.constant 16 : index
        %parallel_loop3A_139 = tpu.vector_load %arg6[%parallel_loop3A_137, %parallel_loop3A_138] {strides = array<i32>} : memref<200x64xf32, #tpu.memory_space<vmem>>, vector<1x16xf32>,
        %parallel_loop3A_140 = vector.shape_cast %parallel_loop3A_139 : vector<1x16xf32> to vector<16xf32>
        %parallel_loop3A_141 = arith.addf %parallel_loop3A_136, %parallel_loop3A_140 : vector<16xf32>
        %parallel_loop3A_142 = arith.index_cast %parallel_loop3A_112 : i32 to index
        %parallel_loop3A_143 = arith.constant 16 : index
        %parallel_loop3A_144 = tpu.vector_load %arg11[%parallel_loop3A_142, %parallel_loop3A_143] {strides = array<i32>} : memref<200x64xf32, #tpu.memory_space<vmem>>, vector<1x16xf32>,
        %parallel_loop3A_145 = vector.shape_cast %parallel_loop3A_144 : vector<1x16xf32> to vector<16xf32>
        %parallel_loop3A_146 = vector.shape_cast %parallel_loop3A_141 : vector<16xf32> to vector<1x16xf32>
        tpu.vector_store %arg11[%parallel_loop3A_142, %parallel_loop3A_143], %parallel_loop3A_146 {strides = array<i32>} : memref<200x64xf32, #tpu.memory_space<vmem>>, vector<1x16xf32>,
        %parallel_loop3A_147 = arith.index_cast %parallel_loop3A_112 : i32 to index
        %parallel_loop3A_148 = arith.constant 32 : index
        %parallel_loop3A_149 = tpu.vector_load %arg9[%parallel_loop3A_147, %parallel_loop3A_148] {strides = array<i32>} : memref<200x64xf32, #tpu.memory_space<vmem>>, vector<1x16xf32>,
        %parallel_loop3A_150 = vector.shape_cast %parallel_loop3A_149 : vector<1x16xf32> to vector<16xf32>
        %parallel_loop3A_151 = arith.constant 8.000000e+00 : f32
        %parallel_loop3A_152 = vector.broadcast %parallel_loop3A_151 : f32 to vector<16xf32>
        %parallel_loop3A_153 = arith.mulf %parallel_loop3A_150, %parallel_loop3A_152 : vector<16xf32>
        %parallel_loop3A_154 = arith.index_cast %parallel_loop3A_112 : i32 to index
        %parallel_loop3A_155 = arith.constant 32 : index
        %parallel_loop3A_156 = tpu.vector_load %arg6[%parallel_loop3A_154, %parallel_loop3A_155] {strides = array<i32>} : memref<200x64xf32, #tpu.memory_space<vmem>>, vector<1x16xf32>,
        %parallel_loop3A_157 = vector.shape_cast %parallel_loop3A_156 : vector<1x16xf32> to vector<16xf32>
        %parallel_loop3A_158 = arith.addf %parallel_loop3A_153, %parallel_loop3A_157 : vector<16xf32>
        %parallel_loop3A_159 = arith.index_cast %parallel_loop3A_112 : i32 to index
        %parallel_loop3A_160 = arith.constant 32 : index
        %parallel_loop3A_161 = tpu.vector_load %arg11[%parallel_loop3A_159, %parallel_loop3A_160] {strides = array<i32>} : memref<200x64xf32, #tpu.memory_space<vmem>>, vector<1x16xf32>,
        %parallel_loop3A_162 = vector.shape_cast %parallel_loop3A_161 : vector<1x16xf32> to vector<16xf32>
        %parallel_loop3A_163 = vector.shape_cast %parallel_loop3A_158 : vector<16xf32> to vector<1x16xf32>
        tpu.vector_store %arg11[%parallel_loop3A_159, %parallel_loop3A_160], %parallel_loop3A_163 {strides = array<i32>} : memref<200x64xf32, #tpu.memory_space<vmem>>, vector<1x16xf32>,
        %parallel_loop3A_164 = arith.index_cast %parallel_loop3A_112 : i32 to index
        %parallel_loop3A_165 = arith.constant 48 : index
        %parallel_loop3A_166 = tpu.vector_load %arg9[%parallel_loop3A_164, %parallel_loop3A_165] {strides = array<i32>} : memref<200x64xf32, #tpu.memory_space<vmem>>, vector<1x16xf32>,
        %parallel_loop3A_167 = vector.shape_cast %parallel_loop3A_166 : vector<1x16xf32> to vector<16xf32>
        %parallel_loop3A_168 = arith.constant 8.000000e+00 : f32
        %parallel_loop3A_169 = vector.broadcast %parallel_loop3A_168 : f32 to vector<16xf32>
        %parallel_loop3A_170 = arith.mulf %parallel_loop3A_167, %parallel_loop3A_169 : vector<16xf32>
        %parallel_loop3A_171 = arith.index_cast %parallel_loop3A_112 : i32 to index
        %parallel_loop3A_172 = arith.constant 48 : index
        %parallel_loop3A_173 = tpu.vector_load %arg6[%parallel_loop3A_171, %parallel_loop3A_172] {strides = array<i32>} : memref<200x64xf32, #tpu.memory_space<vmem>>, vector<1x16xf32>,
        %parallel_loop3A_174 = vector.shape_cast %parallel_loop3A_173 : vector<1x16xf32> to vector<16xf32>
        %parallel_loop3A_175 = arith.addf %parallel_loop3A_170, %parallel_loop3A_174 : vector<16xf32>
        %parallel_loop3A_176 = arith.index_cast %parallel_loop3A_112 : i32 to index
        %parallel_loop3A_177 = arith.constant 48 : index
        %parallel_loop3A_178 = tpu.vector_load %arg11[%parallel_loop3A_176, %parallel_loop3A_177] {strides = array<i32>} : memref<200x64xf32, #tpu.memory_space<vmem>>, vector<1x16xf32>,
        %parallel_loop3A_179 = vector.shape_cast %parallel_loop3A_178 : vector<1x16xf32> to vector<16xf32>
        %parallel_loop3A_180 = vector.shape_cast %parallel_loop3A_175 : vector<16xf32> to vector<1x16xf32>
        tpu.vector_store %arg11[%parallel_loop3A_176, %parallel_loop3A_177], %parallel_loop3A_180 {strides = array<i32>} : memref<200x64xf32, #tpu.memory_space<vmem>>, vector<1x16xf32>,
      } {sc.loop_unroll_factor = 8 : i64, sc.parallel_access}
      %add3A_98 = arith.constant 2 : i32
      %add3A_99 = arith.addi %add3A_83, %add3A_98 : i32
      %lt3A_100 = arith.constant 128 : i32
      %lt3A_101 = arith.cmpi slt, %add3A_99, %lt3A_100 : i32
      %convert_element_type3A_102 = arith.extui %lt3A_101 : i1 to i32
      %cond3A_103 = arith.constant 0 : i32
      %cond3A_104 = arith.cmpi ne, %convert_element_type3A_102, %cond3A_103 : i32
      scf.if %cond3A_104 {
        %add3A_112 = arith.constant 2 : i32
        %add3A_113 = arith.addi %add3A_83, %add3A_112 : i32
        %mul3A_114 = arith.constant 200 : i32
        %mul3A_115 = arith.muli %add3A_113, %mul3A_114 : i32
        %dma_start3A_116 = arith.constant 0 : i32
        %dma_start3A_117 = arith.constant 0 : i32
        %dma_start3A_118 = tpu.memref_slice %arg9[%dma_start3A_116, %dma_start3A_117] : memref<200x64xf32, #tpu.memory_space<vmem>> -> memref<128x64xf32, #tpu.memory_space<vmem>>
        %dma_start3A_119 = tpu.memref_slice %arg7[%mul3A_115] : memref<25600xi32, #tpu.memory_space<vmem>> -> memref<128xi32, #tpu.memory_space<vmem>>
        %dma_start3A_120 = arith.constant 0 : i32
        %dma_start3A_121 = arith.constant 0 : i32
        %dma_start3A_122 = tpu.memref_slice %arg3[%dma_start3A_120, %dma_start3A_121] : memref<1000000x64xf32, #tpu.memory_space<hbm>> -> memref<1000000x64xf32, #tpu.memory_space<hbm>>
        tpu.enqueue_indirect_dma source(%dma_start3A_122 : memref<1000000x64xf32, #tpu.memory_space<hbm>>) target(%dma_start3A_118 : memref<128x64xf32, #tpu.memory_space<vmem>>) offsets(%dma_start3A_119 : memref<128xi32, #tpu.memory_space<vmem>>) semaphore(%arg13 : memref<!tpu.dma_semaphore, #tpu.memory_space<semaphore_mem>>)
        %add3A_123 = arith.constant 128 : i32
        %add3A_124 = arith.addi %mul3A_115, %add3A_123 : i32
        %dma_start3A_125 = arith.constant 128 : i32
        %dma_start3A_126 = arith.constant 0 : i32
        %dma_start3A_127 = tpu.memref_slice %arg9[%dma_start3A_125, %dma_start3A_126] : memref<200x64xf32, #tpu.memory_space<vmem>> -> memref<72x64xf32, #tpu.memory_space<vmem>>
        %dma_start3A_128 = tpu.memref_slice %arg7[%add3A_124] : memref<25600xi32, #tpu.memory_space<vmem>> -> memref<72xi32, #tpu.memory_space<vmem>>
        %dma_start3A_129 = arith.constant 0 : i32
        %dma_start3A_130 = arith.constant 0 : i32
        %dma_start3A_131 = tpu.memref_slice %arg3[%dma_start3A_129, %dma_start3A_130] : memref<1000000x64xf32, #tpu.memory_space<hbm>> -> memref<1000000x64xf32, #tpu.memory_space<hbm>>
        tpu.enqueue_indirect_dma source(%dma_start3A_131 : memref<1000000x64xf32, #tpu.memory_space<hbm>>) target(%dma_start3A_127 : memref<72x64xf32, #tpu.memory_space<vmem>>) offsets(%dma_start3A_128 : memref<72xi32, #tpu.memory_space<vmem>>) semaphore(%arg13 : memref<!tpu.dma_semaphore, #tpu.memory_space<semaphore_mem>>)
      } else {
      }
      %add3A_105 = arith.addi %mul3A_2, %add3A_83 : i32
      %mul3A_106 = arith.constant 200 : i32
      %mul3A_107 = arith.muli %add3A_105, %mul3A_106 : i32
      %dma_start3A_108 = arith.constant 0 : i32
      %dma_start3A_109 = tpu.memref_slice %arg5[%mul3A_107, %dma_start3A_108] : memref<819200x128xf32, #tpu.memory_space<hbm>> -> memref<200x64xf32, #tpu.memory_space<hbm>>
      %dma_start3A_110 = arith.constant 0 : i32
      %dma_start3A_111 = tpu.memref_slice %arg5[%mul3A_107, %dma_start3A_110] : memref<819200x128xf32, #tpu.memory_space<hbm>> -> memref<200x64xf32, #tpu.memory_space<hbm>>
      tpu.enqueue_dma source(%arg11 : memref<200x64xf32, #tpu.memory_space<vmem>>) target(%dma_start3A_111 : memref<200x64xf32, #tpu.memory_space<hbm>>) target_semaphore(%arg15 : memref<!tpu.dma_semaphore, #tpu.memory_space<semaphore_mem>>)
    }
    %scan3A_40 = arith.constant 64 : i32
    %dma_wait3A = arith.constant 0 : i32
    %dma_wait3A_41 = arith.constant 0 : i32
    %dma_wait3A_42 = tpu.memref_slice %arg5[%dma_wait3A, %dma_wait3A_41] : memref<819200x128xf32, #tpu.memory_space<hbm>> -> memref<200x64xf32, #tpu.memory_space<hbm>>
    %dma_wait3A_43 = arith.constant 0 : i32
    %dma_wait3A_44 = arith.constant 0 : i32
    %dma_wait3A_45 = tpu.memref_slice %arg5[%dma_wait3A_43, %dma_wait3A_44] : memref<819200x128xf32, #tpu.memory_space<hbm>> -> memref<200x64xf32, #tpu.memory_space<hbm>>
    tpu.wait_dma2 semaphore(%arg14 : memref<!tpu.dma_semaphore, #tpu.memory_space<semaphore_mem>>) src(%arg10 : memref<200x64xf32, #tpu.memory_space<vmem>>) dst(%dma_wait3A_45 : memref<200x64xf32, #tpu.memory_space<hbm>>)
    %dma_wait3A_46 = arith.constant 0 : i32
    %dma_wait3A_47 = arith.constant 0 : i32
    %dma_wait3A_48 = tpu.memref_slice %arg5[%dma_wait3A_46, %dma_wait3A_47] : memref<819200x128xf32, #tpu.memory_space<hbm>> -> memref<200x64xf32, #tpu.memory_space<hbm>>
    %dma_wait3A_49 = arith.constant 0 : i32
    %dma_wait3A_50 = arith.constant 0 : i32
    %dma_wait3A_51 = tpu.memref_slice %arg5[%dma_wait3A_49, %dma_wait3A_50] : memref<819200x128xf32, #tpu.memory_space<hbm>> -> memref<200x64xf32, #tpu.memory_space<hbm>>
    tpu.wait_dma2 semaphore(%arg15 : memref<!tpu.dma_semaphore, #tpu.memory_space<semaphore_mem>>) src(%arg11 : memref<200x64xf32, #tpu.memory_space<vmem>>) dst(%dma_wait3A_51 : memref<200x64xf32, #tpu.memory_space<hbm>>)
    return
  }
}

</mosaic_0001>

<sc_bundles>
// kernel: kernel.3.cloned.1.call-start
scs
__scs_entry_jumppad:
0x0: {  	(pc) =	sbr.rel $0x88, $3  }
0x1: {  	(tag) =	ssettag $0x0;
	lr =	simm.s32 $0x1  }
0x2: {  	[smem:$0x3F9E] =	sst lr;
	_ =	strace $0xD0000000  }
0x3: {  	_ = 	snop  }
0x4: {  	_ = 	snop  }
0x5: {  	_ = 	snop  }
0x6: {  	_ = 	snop  }
0x7: {  	_ = 	snop  }
__scs_overlays_trampoline_lowered:
0x8: {  	[smem:$0x3FAD] =	sst s0  }
0x9: {  	[smem:$0x3FAE] =	sst s1  }
0xa: {  	[smem:$0x3FAF] =	sst s2  }
0xb: {  	[smem:$0x3FB0] =	sst s3  }
0xc: {  	[smem:$0x3FB1] =	sst s4  }
0xd: {  	[smem:$0x3FB2] =	sst s5  }
0xe: {  	[smem:$0x3FB3] =	sst s6  }
0xf: {  	[smem:$0x3FB4] =	sst s7  }
0x10: {  	[smem:$0x3FB5] =	sst s8  }
0x11: {  	[smem:$0x3FB6] =	sst s9;
	s0 =	simm.s32 @!p0 $0x0  }
0x12: {  	s1 =	sld [smem:$0x3F9C];
	s0 =	simm.s32 @p0 $0x1  }
0x13: {  	[smem:$0x3FB7] =	sst s0;
	s0 =	simm.s32 @!p1 $0x0  }
0x14: {  	s2 =	sld [smem:$0x3F9B];
	s0 =	simm.s32 @p1 $0x1  }
0x15: {  	[smem:$0x3FB8] =	sst s0;
	s0 =	simm.s32 @!p2 $0x0  }
0x16: {  	s3 =	sld [smem:$0x3FDB];
	s0 =	simm.s32 @p2 $0x1  }
0x17: {  	s4 =	simm.s32 $0x1BF5;
	[smem:$0x3FBA] =	sst s0  }
0x18: {  	s0 =	sld [smem:$0x3F9D];
	_ =	swait.ge [sflag:s4], $0x0  }
0x19: {  	s7 =	sld [smem:$0x3F9E]  }
0x1a: {  	s8 =	sadd.s32 $0xFFFFE003, lr  }
0x1b: {  	s9 =	sadd.s32 $0xFFFFFEF7, lr;
	s5 =	simm.s32 $0xFFFFFFFF;
	p2 =	slt.u32 s8, $0xFFFFF086  }
0x1c: {  	p1 =	slt.u32 s9, $0xF7A;
	s5 =	simm.s32 @!p2 $0x0  }
0x1d: {  	s5 =	simm.s32 @p1 $0x1;
	p0 =	seq.s32 s7, s2  }
0x1e: {  	s7 =	smul.u32 @!p0 $0xF7A, s2;
	p2 =	seq.s32 @!p0 s5, $0x0  }
0x1f: {  	s9 =	smul.u32 $0xF7A, s1;
	s8 =	simm.s32 @!p0 $0x1BF5;
	p2 =	por !p2, p0  }
0x20: {  	[sflag:s8] =	ssyncset.s32 @!p0 $0xFFFFF086;
	s6 =	sadd.s32 @!p0 s3, s7;
	s7 =	simm.s32 @!p0 $0x108  }
0x21: {  	s3 =	sadd.s32 s3, s9;
	s6 =	sadd.s32 @!p0 $0x88, s6;
	s7 =	simm.s32 @p2 $0x1082  }
0x22: {  	[simem:s7], [sflag:s8] =	dma.local @!p0 [hbm:s6], $0xF7A  }
0x23: {  	s9 =	sor.u32 $0xD0000000, s2;
	s6 =	simm.s32 $0x108;
	_ =	swait.ge @!p0 [sflag:s8], $0x0  }
0x24: {  	s3 =	sadd.s32 $0x88, s3;
	s6 =	simm.s32 @!p1 $0x1082;
	[sflag:s4] =	ssyncset.s32 $0xFFFFF086  }
0x25: {  	[simem:s6], [sflag:s4] =	dma.local [hbm:s3], $0xF7A  }
0x26: {  	[smem:$0x3F9E] =	sst s1;
	(tag) =	ssettag s2;
	_ =	strace s9  }
0x27: {  	s1 =	sld [smem:$0x3FAE]  }
0x28: {  	s2 =	sld [smem:$0x3FAF]  }
0x29: {  	s4 =	sld [smem:$0x3FB1]  }
0x2a: {  	p0 =	seq.s32 s5, $0x0;
	s5 =	sld [smem:$0x3FB2]  }
0x2b: {  	s6 =	sld [smem:$0x3FB3]  }
0x2c: {  	s7 =	sld [smem:$0x3FB4]  }
0x2d: {  	s3 =	simm.s32 $0x108;
	s8 =	sld [smem:$0x3FB5]  }
0x2e: {  	s3 =	simm.s32 @!p0 $0x1082;
	s9 =	sld [smem:$0x3FB6]  }
0x2f: {  	lr =	sadd.s32 s0, s3;
	s0 =	sld [smem:$0x3FAD]  }
0x30: {  	s3 =	sld [smem:$0x3FB0]  }
0x31: {  	[smem:$0x3FB9] =	sst s10  }
0x32: {  	s10 =	sld [smem:$0x3FB7];
	_ =	sdelay $0x3  }
0x33: {  	p0 =	seq.s32 s10, $0x1;
	s10 =	sld [smem:$0x3FB9];
	_ =	sdelay $0x3  }
0x34: {  	[smem:$0x3FB9] =	sst s10  }
0x35: {  	s10 =	sld [smem:$0x3FB8];
	_ =	sdelay $0x3  }
0x36: {  	p1 =	seq.s32 s10, $0x1;
	s10 =	sld [smem:$0x3FB9];
	_ =	sdelay $0x3  }
0x37: {  	[smem:$0x3FB9] =	sst s10  }
0x38: {  	s10 =	sld [smem:$0x3FBA]  }
0x39: {  	_ = 	snop;
	(pc) =	sbr.ind lr, $3  }
0x3a: {  	_ = 	snop  }
0x3b: {  	_ = 	snop  }
0x3c: {  	p2 =	seq.s32 s10, $0x1;
	s10 =	sld [smem:$0x3FB9]  }
0x3d: {  	_ =	shalt  }
0x3e: {  	_ =	shalt  }
0x3f: {  	_ =	shalt  }
0x40: {  	_ =	shalt  }
0x41: {  	_ =	shalt  }
0x42: {  	_ =	shalt  }
0x43: {  	_ =	shalt  }
0x44: {  	_ =	shalt  }
0x45: {  	_ =	shalt  }
0x46: {  	_ =	shalt  }
0x47: {  	_ =	shalt  }
0x48: {  	_ =	shalt  }
0x49: {  	_ =	shalt  }
0x4a: {  	_ =	shalt  }
0x4b: {  	_ =	shalt  }
0x4c: {  	_ =	shalt  }
0x4d: {  	_ =	shalt  }
0x4e: {  	_ =	shalt  }
0x4f: {  	_ =	shalt  }
0x50: {  	_ =	shalt  }
0x51: {  	_ =	shalt  }
0x52: {  	_ =	shalt  }
0x53: {  	_ =	shalt  }
0x54: {  	_ =	shalt  }
0x55: {  	_ =	shalt  }
0x56: {  	_ =	shalt  }
0x57: {  	_ =	shalt  }
0x58: {  	_ =	shalt  }
0x59: {  	_ =	shalt  }
0x5a: {  	_ =	shalt  }
0x5b: {  	_ =	shalt  }
0x5c: {  	_ =	shalt  }
0x5d: {  	_ =	shalt  }
0x5e: {  	_ =	shalt  }
0x5f: {  	_ =	shalt  }
0x60: {  	_ =	shalt  }
0x61: {  	_ =	shalt  }
0x62: {  	_ =	shalt  }
0x63: {  	_ =	shalt  }
0x64: {  	_ =	shalt  }
0x65: {  	_ =	shalt  }
0x66: {  	_ =	shalt  }
0x67: {  	_ =	shalt  }
0x68: {  	_ =	shalt  }
0x69: {  	_ =	shalt  }
0x6a: {  	_ =	shalt  }
0x6b: {  	_ =	shalt  }
0x6c: {  	_ =	shalt  }
0x6d: {  	_ =	shalt  }
0x6e: {  	_ =	shalt  }
0x6f: {  	_ =	shalt  }
0x70: {  	_ =	shalt  }
0x71: {  	_ =	shalt  }
0x72: {  	_ =	shalt  }
0x73: {  	_ =	shalt  }
0x74: {  	_ =	shalt  }
0x75: {  	_ =	shalt  }
0x76: {  	_ =	shalt  }
0x77: {  	_ =	shalt  }
0x78: {  	_ =	shalt  }
0x79: {  	_ =	shalt  }
0x7a: {  	_ =	shalt  }
0x7b: {  	_ =	shalt  }
0x7c: {  	_ =	shalt  }
0x7d: {  	_ =	shalt  }
0x7e: {  	_ =	shalt  }
0x7f: {  	_ =	shalt  }
0x80: {  	_ =	shalt  }
0x81: {  	_ =	shalt  }
0x82: {  	_ =	shalt  }
0x83: {  	_ =	shalt  }
0x84: {  	_ =	shalt  }
0x85: {  	_ =	shalt  }
0x86: {  	_ =	shalt  }
0x87: {  	_ =	shalt  }
.Lfunc_end0:
.L_simem_size_0:
called_computation.1_lowered:
.L_overlay_start_0:
0x88: {  	s2 =	sld [smem:$0x3FD9]  }
0x89: {  	s3 =	sld [smem:$0x3FFE];
	_ =	sdelay $0x1  }
0x8a: {  	s1 =	srdreg.scid  }
0x8b: {  	s0 =	sand.u32 $0x1, s1  }
0x8c: {  	s17 =	sshll.u32 s0, $0xA;
	s2 =	sadd.s32 s3, s2  }
0x8d: {  	s2 =	sadd.s32 s2, s17  }
0x8e: {  	[smem:$0x3FC5] =	sst s2  }
0x8f: {  	_ = 	snop  }
0x90: {  	s2 =	sld [smem:$0x3FD0];
	(tm) =	ssettm $0x1  }
0x91: {  	s18 =	sld [smem:$0x3FFB];
	_ =	sdelay $0x3  }
0x92: {  	_ =	strace s18  }
0x93: {  	s3 =	sld [smem:$0x3FFC];
	_ =	sdelay $0x3  }
0x94: {  	_ =	strace s3  }
0x95: {  	s3 =	sld [smem:$0x3FFD];
	_ =	sdelay $0x3  }
0x96: {  	_ =	strace s3  }
0x97: {  	_ =	strace $0x8FFFFFFF  }
0x98: {  	s19 =	sld [smem:$0x3FDB];
	_ =	sdelay $0x1  }
0x99: {  	s4 =	simm.s32 $_scs_section_size  }
0x9a: {  	s5 =	simm.s32 $_size__tile_overlayer_lowered;
	s6 =	simm.s32 $_tile_overlayer_lowered  }
0x9b: {  	s22 =	simm.s32 $0x1BFF;
	s21 =	sshll.u32 s6, $0x1;
	s3 =	sadd.s32 s4, s19  }
0x9c: {  	s7 =	simm.s32 $0x0;
	s20 =	sshll.u32 s5, $0x1;
	s5 =	sadd.s32 s21, s3  }
0x9d: {  	[timem:s7], [sflag:s22] =	dma.local [hbm:s5], s20  }
0x9e: {  	_ =	swait.ge [sflag:s22], s20  }
0x9f: {  	s4 =	ssub.s32 $0x0, s20;
	[sflag:s22] =	ssyncset.done $0x0  }
0xa0: {  	[sflag:s22] =	ssyncadd.s32 s4;
	_ =	sdelay $0x1  }
0xa1: {  	s23 =	simm.s32 $0x1B8B  }
0xa2: {  	_ =	swait.ge [sflag:s23], $0x1  }
0xa3: {  	[sflag:s23] =	ssyncset.done $0x0  }
0xa4: {  	s25 =	simm.s32 $0x1B8E;
	s24 =	sld [smem:$0x3FFE];
	[sflag:s23] =	ssyncadd.s32 $0xFFFFFFFF  }
0xa5: {  	s26 =	simm.s32 $execute0_lowered;
	[smem:$0x3FD2] =	sst s25  }
0xa6: {  	s5 =	sshll.u32 s26, $0x1;
	_ =	strace $0x80000046;
	[dreg:$0x1] =	wrdreg $0xFFFFFFFF  }
0xa7: {  	s28 =	simm.s32 $_size_execute0_lowered;
	s3 =	sadd.s32 s3, s5;
	[dreg:$0x0] =	wrdreg $0x0  }
0xa8: {  	s5 =	sshll.u32 s28, $0x1;
	[dreg:$0x2] =	wrdreg s3  }
0xa9: {  	[dreg:$0x3] =	wrdreg s5  }
0xaa: {  	[dreg:$0x4] =	wrdreg $0xC0  }
0xab: {  	_ =	task [dreg:s7], $0x5FFFF  }
0xac: {  	[dreg:$0x1] =	wrdreg $0xFFFFFFFF  }
0xad: {  	[dreg:$0x0] =	wrdreg $0x60  }
0xae: {  	[dreg:$0x2] =	wrdreg s2  }
0xaf: {  	[dreg:$0x3] =	wrdreg s24  }
0xb0: {  	[dreg:$0x4] =	wrdreg $0x9  }
0xb1: {  	_ =	task.clear_ibuf [dreg:s7], $0x5FFFF;
	_ =	strace $0x90000046  }
0xb2: {  	s29 =	simm.s32 $0x9;
	_ =	strace $0x80000048  }
0xb3: {  	_ =	swait.ge [sflag:s29], $0x1  }
0xb4: {  	[sflag:s29] =	ssyncadd.s32 $0xFFFFFFFF  }
0xb5: {  	_ =	strace $0x90000048  }
0xb6: {  	_ =	sfence  }
0xb7: {  	s30 =	sld [smem:$0x0];
	_ =	sdelay $0x2  }
0xb8: {  	s31 =	sshll.u32 s1, $0xD;
	s1 =	sshrl.u32 s1, $0x2  }
0xb9: {  	s3 =	sand.u32 $0x4000, s31;
	s1 =	sadd.s32 s1, s30  }
0xba: {  	s0 =	sor.u32 s3, s0;
	s1 =	sshll.u32 s1, $0x11  }
0xbb: {  	s0 =	sor.u32 s1, s0  }
0xbc: {  	s0 =	sadd.s32 $0x8F2B, s0  }
0xbd: {  	[sflag:s0] =	ssyncadd.remote.s32 $0x1  }
0xbe: {  	_ =	sfence.sel $0xFFFF  }
0xbf: {  	[dreg:$0x0] =	wrdreg $0xFFFFFFFF;
	(pc) =	sbr.abs _section_cstart, $3  }
0xc0: {  	[dreg:$0x1] =	wrdreg $0xFFFFFFFF  }
0xc1: {  	_ =	task.clear_ibuf [dreg:s7], $0x2FFFF;
	_ =	strace $0x9FFFFFFF  }
0xc2: {  	(tm) =	ssettm $0x7FFFFFFF  }
0xc3: {  	_ =	shalt  }
tec
execute0_lowered:
.L_overlay_start_1:
0x0: {  	(tag) =	ssettag $0x1  }
0x1: {  	s0 =	rddreg [dreg:$0x0]  }
0x2: {  	s1 =	rddreg [dreg:$0x1];
	s2 =	simm.s32 $0x0;
	s3 =	srdreg.scid  }
0x3: {  	s5 =	stileid.u32;
	s10 =	simm.s32 $0x3200;
	s11 =	simm.s32 $0x80  }
0x4: {  	s13 =	simm.s32 $0x48;
	s15 =	simm.s32 $0xB600;
	s16 =	simm.s32 $0x32C8  }
0x5: {  	s17 =	simm.s32 $0xC800;
	s18 =	simm.s32 $0x3348;
	s19 =	simm.s32 $0xE800  }
0x6: {  	s20 =	simm.s32 $0x1;
	s21 =	simm.s32 $0x40;
	s22 =	simm.s32 $0xFA00  }
0x7: {  	s23 =	simm.s32 $0x2;
	s24 =	simm.s32 $0x12C00;
	s25 =	simm.s32 $0x3  }
0x8: {  	s26 =	simm.s32 $0x4;
	s28 =	simm.s32 $0x0;
	[smem:$0x7FF] =	sst s2  }
0x9: {  	s4 =	sand.u32 $0x1, s3;
	s5 =	sshll.u32 s5, $0x1;
	s3 =	sadd.s32 $0xF43000, s1  }
0xa: {  	_ =	strace $0x80000047;
	s6 =	ssub.s32 $0x2, s4;
	s7 =	sor.u32 s4, s5  }
0xb: {  	s4 =	sadd.s32 $0xC00, s1;
	s8 =	sshrl.u32 s6, $0x1;
	s9 =	smul.u32 $0xC80, s7  }
0xc: {  	s5 =	sadd.s32 $0x2C00, s1;
	s31 =	ssub.s32 s6, s8;
	s6 =	sshll.u32 s7, $0x7  }
0xd: {  	s7 =	sadd.s32 s0, s9;
	s8 =	smax.u32 s31, $0x1;
	s9 =	simm.s32 $0x5  }
.LBB2_1:
0xe: {  	[tilespmem:s2], [sflag:$0x5] =	stream.linear.gather [hbm4b:s4+s2], $0x3200, $0x38;
	[tilespmem:$0x15E00] =	vst v63  }
0xf: {  	_ =	swait.ge [sflag:s9], $0x3200  }
0x10: {  	[sflag:s9] =	ssyncset.done $0x0  }
0x11: {  	[sflag:s9] =	ssyncadd.s32 $0xFFFFCE00  }
0x12: {  	[tilespmem:s10], [sflag:$0x5] =	stream.linear.gather [hbm4b:s7+s2], $0x6400, $0x38;
	[tilespmem:$0x15E00] =	vst v63  }
0x13: {  	_ =	swait.ge [sflag:s9], $0x6400  }
0x14: {  	[sflag:s9] =	ssyncset.done $0x0  }
0x15: {  	s0 =	simm.s32 $0x9600;
	[sflag:s9] =	ssyncadd.s32 $0xFFFF9C00  }
0x16: {  	[tilespmem:s0], [sflag:$0x1] =	stream.indirect.gather [hbm4b:s3+s11], $0x40, s10, s11, $0xb8;
	[tilespmem:$0x15E00] =	vst v63  }
0x17: {  	s31 =	simm.s32 $0x3280  }
0x18: {  	[tilespmem:s15], [sflag:$0x1] =	stream.indirect.gather [hbm4b:s3+s13], $0x40, s31, s13, $0xb8;
	[tilespmem:$0x15E00] =	vst v63  }
0x19: {  	_ = 	snop  }
0x1a: {  	[tilespmem:s17], [sflag:$0x2] =	stream.indirect.gather [hbm4b:s3+s11], $0x40, s16, s11, $0xb8;
	[tilespmem:$0x15E00] =	vst v63  }
0x1b: {  	s29 =	simm.s32 $0x0  }
0x1c: {  	[tilespmem:s19], [sflag:$0x2] =	stream.indirect.gather [hbm4b:s3+s13], $0x40, s18, s13, $0xb8;
	[tilespmem:$0x15E00] =	vst v63  }
.LBB2_2:
0x1d: {  	_ =	swait.ge [sflag:s20], $0x3200  }
0x1e: {  	p1 =	seq.s32 s29, $0x0;
	[sflag:s20] =	ssyncset.done $0x0  }
0x1f: {  	s0 =	simm.s32 @!p1 $0x3;
	[sflag:s20] =	ssyncadd.s32 $0xFFFFCE00  }
0x20: {  	_ =	swait.ge @!p1 [sflag:s0], $0x3200  }
0x21: {  	[sflag:s0] =	ssyncset.done @!p1 $0x0  }
0x22: {  	s1 =	simm.s32 $0x9700;
	[sflag:s0] =	ssyncadd.s32 @!p1 $0xFFFFCE00  }
0x23: {  	v0 =	vld [tilespmem:s1+$0xC0]  }
0x24: {  	s30 =	simm.s32 $0x100;
	v1 =	vld [tilespmem:s1+$0xFFFFFF40]  }
0x25: {  	v2 =	vld [tilespmem:s30+$0xC0]  }
0x26: {  	v3 =	vld [tilespmem:s1+$0xFFFFFF80]  }
0x27: {  	v4 =	vld [tilespmem:s1+$0xFFFFFFC0]  }
0x28: {  	v5 =	vld [tilespmem:s1+$0x0]  }
0x29: {  	v6 =	vld [tilespmem:s1+$0x40]  }
0x2a: {  	v8 =	vld [tilespmem:s30+$0xFFFFFF00];
	v0 =	vmul.f32 $8.000000000e+00, v0  }
0x2b: {  	v9 =	vld [tilespmem:s30+$0xFFFFFF40]  }
0x2c: {  	v12 =	vld [tilespmem:s30+$0xFFFFFFC0];
	v0 =	vadd.f32 v2, v0  }
0x2d: {  	s0 =	simm.s32 $0xFB00;
	v2 =	vld [tilespmem:s1+$0xFFFFFF00]  }
0x2e: {  	v11 =	vld [tilespmem:s30+$0xFFFFFF80];
	v1 =	vmul.f32 $8.000000000e+00, v1;
	[tilespmem:s0+$0xC0] =	vst v0  }
0x2f: {  	v0 =	vld [tilespmem:s1+$0xD0]  }
0x30: {  	v7 =	vld [tilespmem:s1+$0x80];
	v4 =	vmul.f32 $8.000000000e+00, v4;
	v1 =	vadd.f32 v9, v1  }
0x31: {  	v3 =	vmul.f32 $8.000000000e+00, v3;
	v10 =	vld [tilespmem:s30+$0xD0]  }
0x32: {  	v9 =	vld [tilespmem:s30+$0x40];
	v4 =	vadd.f32 v12, v4;
	[tilespmem:s0+$0xFFFFFF40] =	vst v1;
	v2 =	vmul.f32 $8.000000000e+00, v2  }
0x33: {  	v1 =	vadd.f32 v11, v3;
	v3 =	vmul.f32 $8.000000000e+00, v5;
	v5 =	vld [tilespmem:s1+$0xFFFFFF50]  }
0x34: {  	[tilespmem:s0+$0xFFFFFFC0] =	vst v4;
	v2 =	vadd.f32 v8, v2;
	v8 =	vld [tilespmem:s30+$0x0];
	v0 =	vmul.f32 $8.000000000e+00, v0  }
0x35: {  	v11 =	vld [tilespmem:s30+$0xFFFFFFD0]  }
0x36: {  	[tilespmem:s0+$0xFFFFFF00] =	vst v2;
	v2 =	vld [tilespmem:s30+$0x80];
	v0 =	vadd.f32 v10, v0  }
0x37: {  	[tilespmem:s0+$0xFFFFFF80] =	vst v1;
	v10 =	vld [tilespmem:s1+$0xFFFFFF10]  }
0x38: {  	[tilespmem:s0+$0xD0] =	vst v0;
	v0 =	vmul.f32 $8.000000000e+00, v6;
	v6 =	vmul.f32 $8.000000000e+00, v7;
	v7 =	vld [tilespmem:s1+$0xFFFFFF90]  }
0x39: {  	v3 =	vadd.f32 v8, v3;
	v8 =	vld [tilespmem:s30+$0xFFFFFF10]  }
0x3a: {  	v1 =	vld [tilespmem:s1+$0xE0]  }
0x3b: {  	v4 =	vld [tilespmem:s30+$0xE0]  }
0x3c: {  	v0 =	vadd.f32 v9, v0;
	v9 =	vld [tilespmem:s30+$0xFFFFFF90]  }
0x3d: {  	[tilespmem:s0+$0x0] =	vst v3;
	v2 =	vadd.f32 v2, v6;
	v3 =	vld [tilespmem:s1+$0xFFFFFFD0]  }
0x3e: {  	v10 =	vmul.f32 $8.000000000e+00, v10;
	[tilespmem:s0+$0x40] =	vst v0;
	v0 =	vld [tilespmem:s1+$0x10]  }
0x3f: {  	[tilespmem:s0+$0x80] =	vst v2;
	v2 =	vld [tilespmem:s1+$0x50];
	v7 =	vmul.f32 $8.000000000e+00, v7  }
0x40: {  	v6 =	vld [tilespmem:s1+$0x90];
	v8 =	vadd.f32 v8, v10;
	v1 =	vmul.f32 $8.000000000e+00, v1  }
0x41: {  	v10 =	vld [tilespmem:s30+$0x10];
	v7 =	vadd.f32 v9, v7  }
0x42: {  	[tilespmem:s0+$0xFFFFFF10] =	vst v8;
	v8 =	vld [tilespmem:s30+$0x90];
	v1 =	vadd.f32 v4, v1  }
0x43: {  	v3 =	vmul.f32 $8.000000000e+00, v3;
	v4 =	vld [tilespmem:s30+$0xFFFFFF50];
	[tilespmem:s0+$0xFFFFFF90] =	vst v7  }
0x44: {  	[tilespmem:s0+$0xE0] =	vst v1;
	v9 =	vld [tilespmem:s1+$0xFFFFFFA0]  }
0x45: {  	v0 =	vmul.f32 $8.000000000e+00, v0;
	v3 =	vadd.f32 v11, v3;
	v1 =	vld [tilespmem:s1+$0xF0]  }
0x46: {  	v62 =	vld [tilespmem:s30+$0xF0]  }
0x47: {  	v5 =	vmul.f32 $8.000000000e+00, v5;
	[tilespmem:s0+$0xFFFFFFD0] =	vst v3;
	v0 =	vadd.f32 v10, v0;
	v10 =	vld [tilespmem:s30+$0xFFFFFFA0]  }
0x48: {  	v3 =	vld [tilespmem:s1+$0xFFFFFFE0]  }
0x49: {  	v6 =	vmul.f32 $8.000000000e+00, v6;
	v4 =	vadd.f32 v4, v5;
	v5 =	vld [tilespmem:s30+$0x50]  }
0x4a: {  	v11 =	vld [tilespmem:s30+$0xFFFFFFE0];
	[tilespmem:s0+$0x10] =	vst v0  }
0x4b: {  	v0 =	vadd.f32 v8, v6;
	v6 =	vld [tilespmem:s1+$0x20]  }
0x4c: {  	v2 =	vmul.f32 $8.000000000e+00, v2;
	[tilespmem:s0+$0xFFFFFF50] =	vst v4;
	v4 =	vld [tilespmem:s1+$0xFFFFFF20]  }
0x4d: {  	v7 =	vld [tilespmem:s1+$0xFFFFFF60]  }
0x4e: {  	[tilespmem:s0+$0x90] =	vst v0;
	v2 =	vadd.f32 v5, v2;
	v5 =	vld [tilespmem:s30+$0xFFFFFF20]  }
0x4f: {  	v0 =	vld [tilespmem:s1+$0xA0];
	v3 =	vmul.f32 $8.000000000e+00, v3  }
0x50: {  	v8 =	vld [tilespmem:s30+$0xFFFFFF60];
	[tilespmem:s0+$0x50] =	vst v2  }
0x51: {  	v3 =	vadd.f32 v11, v3;
	v4 =	vmul.f32 $8.000000000e+00, v4;
	v2 =	vld [tilespmem:s1+$0x60]  }
0x52: {  	v13 =	vld [tilespmem:s30+$0x60]  }
0x53: {  	v7 =	vmul.f32 $8.000000000e+00, v7;
	[tilespmem:s0+$0xFFFFFFE0] =	vst v3;
	v4 =	vadd.f32 v5, v4;
	v5 =	vld [tilespmem:s30+$0x20]  }
0x54: {  	v9 =	vmul.f32 $8.000000000e+00, v9;
	v3 =	vld [tilespmem:s1+$0xFFFFFFF0]  }
0x55: {  	[tilespmem:s0+$0xFFFFFF20] =	vst v4;
	v4 =	vadd.f32 v8, v7;
	v7 =	vld [tilespmem:s30+$0xA0]  }
0x56: {  	v6 =	vmul.f32 $8.000000000e+00, v6;
	v8 =	vadd.f32 v10, v9;
	v9 =	vld [tilespmem:s1+$0xFFFFFF30]  }
0x57: {  	v2 =	vmul.f32 $8.000000000e+00, v2;
	[tilespmem:s0+$0xFFFFFF60] =	vst v4;
	v4 =	vld [tilespmem:s30+$0xFFFFFF30]  }
0x58: {  	v0 =	vmul.f32 $8.000000000e+00, v0;
	[tilespmem:s0+$0xFFFFFFA0] =	vst v8;
	v10 =	vld [tilespmem:s1+$0xFFFFFF70];
	v5 =	vadd.f32 v5, v6  }
0x59: {  	v6 =	vld [tilespmem:s1+$0xFFFFFFB0];
	v2 =	vadd.f32 v13, v2  }
0x5a: {  	v14 =	vld [tilespmem:s30+$0xFFFFFF70];
	[tilespmem:s0+$0x20] =	vst v5;
	v0 =	vadd.f32 v7, v0  }
0x5b: {  	[tilespmem:s0+$0x60] =	vst v2;
	v11 =	vld [tilespmem:s1+$0x30]  }
0x5c: {  	v1 =	vmul.f32 $8.000000000e+00, v1;
	v63 =	vld [tilespmem:s1+$0x70];
	[tilespmem:s0+$0xA0] =	vst v0  }
0x5d: {  	v0 =	vld [tilespmem:s1+$0xB0]  }
0x5e: {  	v8 =	vadd.f32 v62, v1;
	v5 =	vld [tilespmem:s30+$0xFFFFFFB0];
	v2 =	vmul.f32 $8.000000000e+00, v9  }
0x5f: {  	v1 =	vld [tilespmem:s30+$0xFFFFFFF0]  }
0x60: {  	[tilespmem:s0+$0xF0] =	vst v8;
	v8 =	vmul.f32 $8.000000000e+00, v3;
	v9 =	vadd.f32 v4, v2;
	v10 =	vmul.f32 $8.000000000e+00, v10;
	v2 =	vld [tilespmem:s30+$0x30]  }
0x61: {  	v3 =	vld [tilespmem:s30+$0x70];
	v7 =	vmul.f32 $8.000000000e+00, v6;
	v4 =	vmul.f32 $8.000000000e+00, v11  }
0x62: {  	s31 =	sshll.u32 s29, $0x1;
	s12 =	simm.s32 $0x9900;
	s1 =	simm.s32 $0x0;
	[tilespmem:s0+$0xFFFFFF30] =	vst v9;
	v10 =	vadd.f32 v14, v10;
	v9 =	vld [tilespmem:s30+$0xB0];
	v6 =	vmul.f32 $8.000000000e+00, v63;
	v0 =	vmul.f32 $8.000000000e+00, v0  }
.LBB2_3:
0x63: {  	v11 =	vld [tilespmem:s12+$0xC0];
	s1 =	sadd.s32 $0x8, s1;
	v5 =	vadd.f32 v5, v7  }
0x64: {  	s30 =	sadd.s32 $0x200, s30;
	v7 =	vld [tilespmem:s12+$0xFFFFFF40];
	p0 =	slt.u32 s1, $0xC0;
	[tilespmem:s0+$0xFFFFFF70] =	vst v10;
	v1 =	vadd.f32 v1, v8  }
0x65: {  	v8 =	vld [tilespmem:s30+$0xC0];
	[tilespmem:s0+$0xFFFFFFB0] =	vst v5;
	v2 =	vadd.f32 v2, v4  }
0x66: {  	v4 =	vld [tilespmem:s12+$0xFFFFFF80];
	[tilespmem:s0+$0xFFFFFFF0] =	vst v1;
	v1 =	vadd.f32 v3, v6  }
0x67: {  	v3 =	vld [tilespmem:s12+$0xFFFFFFC0];
	[tilespmem:s0+$0x30] =	vst v2;
	v0 =	vadd.f32 v9, v0  }
0x68: {  	v2 =	vld [tilespmem:s12+$0x0];
	v5 =	vmul.f32 $8.000000000e+00, v11;
	[tilespmem:s0+$0x70] =	vst v1  }
0x69: {  	v1 =	vmul.f32 $8.000000000e+00, v7;
	v6 =	vld [tilespmem:s12+$0x40];
	[tilespmem:s0+$0xB0] =	vst v0  }
0x6a: {  	v0 =	vld [tilespmem:s12+$0x80];
	v5 =	vadd.f32 v8, v5  }
0x6b: {  	s0 =	sadd.s32 $0x200, s0;
	v7 =	vld [tilespmem:s12+$0xFFFFFF00];
	v4 =	vmul.f32 $8.000000000e+00, v4  }
0x6c: {  	v8 =	vld [tilespmem:s30+$0xFFFFFF00];
	v3 =	vmul.f32 $8.000000000e+00, v3;
	[tilespmem:s0+$0xC0] =	vst v5  }
0x6d: {  	v2 =	vmul.f32 $8.000000000e+00, v2;
	v5 =	vld [tilespmem:s12+$0xD0]  }
0x6e: {  	v9 =	vld [tilespmem:s30+$0xFFFFFF40];
	v6 =	vmul.f32 $8.000000000e+00, v6  }
0x6f: {  	v0 =	vmul.f32 $8.000000000e+00, v0;
	v10 =	vld [tilespmem:s30+$0xD0]  }
0x70: {  	v7 =	vmul.f32 $8.000000000e+00, v7;
	v11 =	vld [tilespmem:s30+$0xFFFFFF80]  }
0x71: {  	v12 =	vld [tilespmem:s30+$0xFFFFFFC0]  }
0x72: {  	v7 =	vadd.f32 v8, v7;
	v8 =	vld [tilespmem:s30+$0x0];
	v5 =	vmul.f32 $8.000000000e+00, v5  }
0x73: {  	v1 =	vadd.f32 v9, v1;
	v9 =	vld [tilespmem:s30+$0x40]  }
0x74: {  	[tilespmem:s0+$0xFFFFFF00] =	vst v7;
	v7 =	vld [tilespmem:s30+$0x80];
	v5 =	vadd.f32 v10, v5  }
0x75: {  	v10 =	vld [tilespmem:s12+$0xFFFFFF10];
	[tilespmem:s0+$0xFFFFFF40] =	vst v1;
	v1 =	vadd.f32 v11, v4  }
0x76: {  	v4 =	vld [tilespmem:s12+$0xFFFFFF50];
	v3 =	vadd.f32 v12, v3;
	[tilespmem:s0+$0xD0] =	vst v5  }
0x77: {  	[tilespmem:s0+$0xFFFFFF80] =	vst v1;
	v1 =	vadd.f32 v8, v2;
	v2 =	vld [tilespmem:s12+$0xE0]  }
0x78: {  	v5 =	vld [tilespmem:s12+$0xFFFFFF90];
	[tilespmem:s0+$0xFFFFFFC0] =	vst v3;
	v3 =	vadd.f32 v9, v6  }
0x79: {  	[tilespmem:s0+$0x0] =	vst v1;
	v0 =	vadd.f32 v7, v0;
	v1 =	vld [tilespmem:s30+$0xE0]  }
0x7a: {  	v6 =	vmul.f32 $8.000000000e+00, v10;
	v7 =	vld [tilespmem:s12+$0xFFFFFFD0];
	[tilespmem:s0+$0x40] =	vst v3  }
0x7b: {  	v3 =	vmul.f32 $8.000000000e+00, v4;
	v4 =	vld [tilespmem:s12+$0x10];
	[tilespmem:s0+$0x80] =	vst v0  }
0x7c: {  	v0 =	vld [tilespmem:s12+$0x50];
	v2 =	vmul.f32 $8.000000000e+00, v2  }
0x7d: {  	v5 =	vmul.f32 $8.000000000e+00, v5;
	v8 =	vld [tilespmem:s12+$0x90]  }
0x7e: {  	v9 =	vld [tilespmem:s30+$0xFFFFFF10];
	v1 =	vadd.f32 v1, v2  }
0x7f: {  	v2 =	vld [tilespmem:s30+$0xFFFFFF50];
	v7 =	vmul.f32 $8.000000000e+00, v7  }
0x80: {  	v10 =	vld [tilespmem:s30+$0xFFFFFF90];
	v4 =	vmul.f32 $8.000000000e+00, v4;
	[tilespmem:s0+$0xE0] =	vst v1  }
0x81: {  	v0 =	vmul.f32 $8.000000000e+00, v0;
	v1 =	vld [tilespmem:s12+$0xF0]  }
0x82: {  	v11 =	vld [tilespmem:s30+$0xFFFFFFD0];
	v8 =	vmul.f32 $8.000000000e+00, v8  }
0x83: {  	v6 =	vadd.f32 v9, v6;
	v9 =	vld [tilespmem:s30+$0xF0]  }
0x84: {  	v2 =	vadd.f32 v2, v3;
	v3 =	vld [tilespmem:s30+$0x10]  }
0x85: {  	[tilespmem:s0+$0xFFFFFF10] =	vst v6;
	v5 =	vadd.f32 v10, v5;
	v6 =	vld [tilespmem:s30+$0x50]  }
0x86: {  	[tilespmem:s0+$0xFFFFFF50] =	vst v2;
	v2 =	vld [tilespmem:s30+$0x90];
	v1 =	vmul.f32 $8.000000000e+00, v1  }
0x87: {  	v10 =	vld [tilespmem:s12+$0xFFFFFF20];
	[tilespmem:s0+$0xFFFFFF90] =	vst v5;
	v5 =	vadd.f32 v11, v7  }
0x88: {  	v7 =	vld [tilespmem:s12+$0xFFFFFF60];
	v1 =	vadd.f32 v9, v1  }
0x89: {  	v9 =	vld [tilespmem:s12+$0xFFFFFFA0];
	[tilespmem:s0+$0xFFFFFFD0] =	vst v5;
	v3 =	vadd.f32 v3, v4  }
0x8a: {  	v4 =	vld [tilespmem:s12+$0xFFFFFFE0];
	v0 =	vadd.f32 v6, v0;
	[tilespmem:s0+$0xF0] =	vst v1  }
0x8b: {  	v1 =	vld [tilespmem:s30+$0xFFFFFF20];
	[tilespmem:s0+$0x10] =	vst v3;
	v2 =	vadd.f32 v2, v8  }
0x8c: {  	v3 =	vmul.f32 $8.000000000e+00, v10;
	v5 =	vld [tilespmem:s12+$0x20];
	[tilespmem:s0+$0x50] =	vst v0  }
0x8d: {  	v0 =	vmul.f32 $8.000000000e+00, v7;
	v6 =	vld [tilespmem:s12+$0x60];
	[tilespmem:s0+$0x90] =	vst v2  }
0x8e: {  	v2 =	vmul.f32 $8.000000000e+00, v9;
	v7 =	vld [tilespmem:s12+$0xA0]  }
0x8f: {  	v8 =	vld [tilespmem:s30+$0xFFFFFF60];
	v4 =	vmul.f32 $8.000000000e+00, v4  }
0x90: {  	v1 =	vadd.f32 v1, v3;
	v3 =	vld [tilespmem:s30+$0xFFFFFFA0]  }
0x91: {  	v9 =	vld [tilespmem:s30+$0xFFFFFFE0];
	v5 =	vmul.f32 $8.000000000e+00, v5  }
0x92: {  	[tilespmem:s0+$0xFFFFFF20] =	vst v1;
	v1 =	vld [tilespmem:s30+$0x20];
	v6 =	vmul.f32 $8.000000000e+00, v6  }
0x93: {  	v10 =	vld [tilespmem:s30+$0x60];
	v7 =	vmul.f32 $8.000000000e+00, v7  }
0x94: {  	v0 =	vadd.f32 v8, v0;
	v8 =	vld [tilespmem:s30+$0xA0]  }
0x95: {  	v11 =	vld [tilespmem:s12+$0xFFFFFF30];
	v2 =	vadd.f32 v3, v2  }
0x96: {  	v3 =	vld [tilespmem:s30+$0xFFFFFF30];
	[tilespmem:s0+$0xFFFFFF60] =	vst v0;
	v0 =	vadd.f32 v9, v4  }
0x97: {  	v4 =	vld [tilespmem:s12+$0xFFFFFF70];
	[tilespmem:s0+$0xFFFFFFA0] =	vst v2;
	v1 =	vadd.f32 v1, v5  }
0x98: {  	v2 =	vld [tilespmem:s12+$0xFFFFFFB0];
	[tilespmem:s0+$0xFFFFFFE0] =	vst v0;
	v0 =	vadd.f32 v10, v6  }
0x99: {  	v6 =	vld [tilespmem:s12+$0xFFFFFFF0];
	[tilespmem:s0+$0x20] =	vst v1;
	v1 =	vadd.f32 v8, v7  }
0x9a: {  	v5 =	vmul.f32 $8.000000000e+00, v11;
	v9 =	vld [tilespmem:s12+$0x30];
	[tilespmem:s0+$0x60] =	vst v0  }
0x9b: {  	v0 =	vld [tilespmem:s12+$0x70];
	[tilespmem:s0+$0xA0] =	vst v1  }
0x9c: {  	v1 =	vadd.f32 v3, v5;
	v10 =	vmul.f32 $8.000000000e+00, v4;
	v11 =	vld [tilespmem:s12+$0xB0]  }
0x9d: {  	v12 =	vld [tilespmem:s30+$0xFFFFFF70];
	v7 =	vmul.f32 $8.000000000e+00, v2  }
.Ltmp0:
0x9e: {  	[tilespmem:s0+$0xFFFFFF30] =	vst v1;
	v5 =	vld [tilespmem:s30+$0xFFFFFFB0];
	v8 =	vmul.f32 $8.000000000e+00, v6;
	(pc) =	sbr.rel @p0 .LBB2_3-.Ltmp0, $4  }
0x9f: {  	v1 =	vld [tilespmem:s30+$0xFFFFFFF0];
	v4 =	vmul.f32 $8.000000000e+00, v9  }
0xa0: {  	v2 =	vld [tilespmem:s30+$0x30];
	v6 =	vmul.f32 $8.000000000e+00, v0  }
0xa1: {  	v3 =	vld [tilespmem:s30+$0x70];
	v0 =	vmul.f32 $8.000000000e+00, v11  }
0xa2: {  	s12 =	sadd.s32 $0x200, s12;
	v10 =	vadd.f32 v12, v10;
	v9 =	vld [tilespmem:s30+$0xB0]  }
0xa3: {  	v5 =	vadd.f32 v5, v7  }
0xa4: {  	[tilespmem:s0+$0xFFFFFF70] =	vst v10;
	v1 =	vadd.f32 v1, v8  }
0xa5: {  	p0 =	seq.s32 s29, $0x3F;
	[tilespmem:s0+$0xFFFFFFB0] =	vst v5;
	v2 =	vadd.f32 v2, v4  }
0xa6: {  	s1 =	smul.u32 @!p0 $0x640, s29;
	[tilespmem:s0+$0xFFFFFFF0] =	vst v1;
	v1 =	vadd.f32 v3, v6  }
0xa7: {  	[tilespmem:s0+$0x30] =	vst v2;
	v0 =	vadd.f32 v9, v0  }
0xa8: {  	s30 =	sshra.s32 @!p0 s1, $0x2;
	[tilespmem:s0+$0x70] =	vst v1  }
0xa9: {  	s12 =	simm.s32 @!p0 $0x9600;
	s1 =	simm.s32 @!p0 $0x80;
	[tilespmem:s0+$0xB0] =	vst v0;
	s0 =	sadd.s32 @!p0 $0x3390, s30  }
0xaa: {  	[tilespmem:s12], [sflag:$0x1] =	stream.indirect.gather @!p0 [hbm4b:s3+s1], $0x40, s0, s1, $0xb8;
	[tilespmem:$0x15E00] =	vst v63  }
0xab: {  	s14 =	simm.s32 @!p0 $0xB600;
	s1 =	sadd.s32 s6, s31  }
0xac: {  	s0 =	sadd.s32 @!p0 $0x3410, s30;
	s12 =	simm.s32 @!p0 $0x48;
	s1 =	smul.u32 $0xC80, s1  }
0xad: {  	[tilespmem:s14], [sflag:$0x1] =	stream.indirect.gather @!p0 [hbm4b:s3+s12], $0x40, s0, s12, $0xb8;
	[tilespmem:$0x15E00] =	vst v63  }
0xae: {  	s12 =	sadd.s32 s5, s1  }
0xaf: {  	[hbm4b:s12+s21] =	stream.strided.scatter [tilespmem:s22], [sflag:$0x3], $0x3200, s11, s21, $0x38;
	[tilespmem:$0x15E00] =	vst v63  }
0xb0: {  	_ =	swait.ge [sflag:s23], $0x3200  }
0xb1: {  	[sflag:s23] =	ssyncset.done $0x0  }
0xb2: {  	s0 =	simm.s32 @!p1 $0x4;
	[sflag:s23] =	ssyncadd.s32 $0xFFFFCE00  }
0xb3: {  	_ =	swait.ge @!p1 [sflag:s0], $0x3200  }
0xb4: {  	[sflag:s0] =	ssyncset.done @!p1 $0x0  }
0xb5: {  	s14 =	simm.s32 $0xC900;
	[sflag:s0] =	ssyncadd.s32 @!p1 $0xFFFFCE00  }
0xb6: {  	v0 =	vld [tilespmem:s14+$0xC0]  }
0xb7: {  	s1 =	simm.s32 $0x100;
	v1 =	vld [tilespmem:s14+$0xFFFFFF40]  }
0xb8: {  	v2 =	vld [tilespmem:s1+$0xC0]  }
0xb9: {  	v3 =	vld [tilespmem:s14+$0xFFFFFF80]  }
0xba: {  	v4 =	vld [tilespmem:s14+$0xFFFFFFC0]  }
0xbb: {  	v5 =	vld [tilespmem:s14+$0x0]  }
0xbc: {  	v6 =	vld [tilespmem:s14+$0x40]  }
0xbd: {  	v8 =	vld [tilespmem:s1+$0xFFFFFF00];
	v0 =	vmul.f32 $8.000000000e+00, v0  }
0xbe: {  	v9 =	vld [tilespmem:s1+$0xFFFFFF40]  }
0xbf: {  	v12 =	vld [tilespmem:s1+$0xFFFFFFC0];
	v0 =	vadd.f32 v2, v0  }
0xc0: {  	s0 =	simm.s32 $0x12D00;
	v2 =	vld [tilespmem:s14+$0xFFFFFF00]  }
0xc1: {  	v11 =	vld [tilespmem:s1+$0xFFFFFF80];
	v1 =	vmul.f32 $8.000000000e+00, v1;
	[tilespmem:s0+$0xC0] =	vst v0  }
0xc2: {  	v0 =	vld [tilespmem:s14+$0xD0]  }
0xc3: {  	v7 =	vld [tilespmem:s14+$0x80];
	v4 =	vmul.f32 $8.000000000e+00, v4;
	v1 =	vadd.f32 v9, v1  }
0xc4: {  	v3 =	vmul.f32 $8.000000000e+00, v3;
	v10 =	vld [tilespmem:s1+$0xD0]  }
0xc5: {  	v9 =	vld [tilespmem:s1+$0x40];
	v4 =	vadd.f32 v12, v4;
	[tilespmem:s0+$0xFFFFFF40] =	vst v1;
	v2 =	vmul.f32 $8.000000000e+00, v2  }
0xc6: {  	v1 =	vadd.f32 v11, v3;
	v3 =	vmul.f32 $8.000000000e+00, v5;
	v5 =	vld [tilespmem:s14+$0xFFFFFF50]  }
0xc7: {  	[tilespmem:s0+$0xFFFFFFC0] =	vst v4;
	v2 =	vadd.f32 v8, v2;
	v8 =	vld [tilespmem:s1+$0x0];
	v0 =	vmul.f32 $8.000000000e+00, v0  }
0xc8: {  	v11 =	vld [tilespmem:s1+$0xFFFFFFD0]  }
0xc9: {  	[tilespmem:s0+$0xFFFFFF00] =	vst v2;
	v2 =	vld [tilespmem:s1+$0x80];
	v0 =	vadd.f32 v10, v0  }
0xca: {  	[tilespmem:s0+$0xFFFFFF80] =	vst v1;
	v10 =	vld [tilespmem:s14+$0xFFFFFF10]  }
0xcb: {  	[tilespmem:s0+$0xD0] =	vst v0;
	v0 =	vmul.f32 $8.000000000e+00, v6;
	v6 =	vmul.f32 $8.000000000e+00, v7;
	v7 =	vld [tilespmem:s14+$0xFFFFFF90]  }
0xcc: {  	v3 =	vadd.f32 v8, v3;
	v8 =	vld [tilespmem:s1+$0xFFFFFF10]  }
0xcd: {  	v1 =	vld [tilespmem:s14+$0xE0]  }
0xce: {  	v4 =	vld [tilespmem:s1+$0xE0]  }
0xcf: {  	v0 =	vadd.f32 v9, v0;
	v9 =	vld [tilespmem:s1+$0xFFFFFF90]  }
0xd0: {  	[tilespmem:s0+$0x0] =	vst v3;
	v2 =	vadd.f32 v2, v6;
	v3 =	vld [tilespmem:s14+$0xFFFFFFD0]  }
0xd1: {  	v10 =	vmul.f32 $8.000000000e+00, v10;
	[tilespmem:s0+$0x40] =	vst v0;
	v0 =	vld [tilespmem:s14+$0x10]  }
0xd2: {  	[tilespmem:s0+$0x80] =	vst v2;
	v2 =	vld [tilespmem:s14+$0x50];
	v7 =	vmul.f32 $8.000000000e+00, v7  }
0xd3: {  	v6 =	vld [tilespmem:s14+$0x90];
	v8 =	vadd.f32 v8, v10;
	v1 =	vmul.f32 $8.000000000e+00, v1  }
0xd4: {  	v10 =	vld [tilespmem:s1+$0x10];
	v7 =	vadd.f32 v9, v7  }
0xd5: {  	[tilespmem:s0+$0xFFFFFF10] =	vst v8;
	v8 =	vld [tilespmem:s1+$0x90];
	v1 =	vadd.f32 v4, v1  }
0xd6: {  	v3 =	vmul.f32 $8.000000000e+00, v3;
	v4 =	vld [tilespmem:s1+$0xFFFFFF50];
	[tilespmem:s0+$0xFFFFFF90] =	vst v7  }
0xd7: {  	[tilespmem:s0+$0xE0] =	vst v1;
	v9 =	vld [tilespmem:s14+$0xFFFFFFA0]  }
0xd8: {  	v0 =	vmul.f32 $8.000000000e+00, v0;
	v3 =	vadd.f32 v11, v3;
	v1 =	vld [tilespmem:s14+$0xF0]  }
0xd9: {  	v62 =	vld [tilespmem:s1+$0xF0]  }
0xda: {  	v5 =	vmul.f32 $8.000000000e+00, v5;
	[tilespmem:s0+$0xFFFFFFD0] =	vst v3;
	v0 =	vadd.f32 v10, v0;
	v10 =	vld [tilespmem:s1+$0xFFFFFFA0]  }
0xdb: {  	v3 =	vld [tilespmem:s14+$0xFFFFFFE0]  }
0xdc: {  	v6 =	vmul.f32 $8.000000000e+00, v6;
	v4 =	vadd.f32 v4, v5;
	v5 =	vld [tilespmem:s1+$0x50]  }
0xdd: {  	v11 =	vld [tilespmem:s1+$0xFFFFFFE0];
	[tilespmem:s0+$0x10] =	vst v0  }
0xde: {  	v0 =	vadd.f32 v8, v6;
	v6 =	vld [tilespmem:s14+$0x20]  }
0xdf: {  	v2 =	vmul.f32 $8.000000000e+00, v2;
	[tilespmem:s0+$0xFFFFFF50] =	vst v4;
	v4 =	vld [tilespmem:s14+$0xFFFFFF20]  }
0xe0: {  	v7 =	vld [tilespmem:s14+$0xFFFFFF60]  }
0xe1: {  	[tilespmem:s0+$0x90] =	vst v0;
	v2 =	vadd.f32 v5, v2;
	v5 =	vld [tilespmem:s1+$0xFFFFFF20]  }
0xe2: {  	v0 =	vld [tilespmem:s14+$0xA0];
	v3 =	vmul.f32 $8.000000000e+00, v3  }
0xe3: {  	v8 =	vld [tilespmem:s1+$0xFFFFFF60];
	[tilespmem:s0+$0x50] =	vst v2  }
0xe4: {  	v3 =	vadd.f32 v11, v3;
	v4 =	vmul.f32 $8.000000000e+00, v4;
	v2 =	vld [tilespmem:s14+$0x60]  }
0xe5: {  	v13 =	vld [tilespmem:s1+$0x60]  }
0xe6: {  	v7 =	vmul.f32 $8.000000000e+00, v7;
	[tilespmem:s0+$0xFFFFFFE0] =	vst v3;
	v4 =	vadd.f32 v5, v4;
	v5 =	vld [tilespmem:s1+$0x20]  }
0xe7: {  	v9 =	vmul.f32 $8.000000000e+00, v9;
	v3 =	vld [tilespmem:s14+$0xFFFFFFF0]  }
0xe8: {  	[tilespmem:s0+$0xFFFFFF20] =	vst v4;
	v4 =	vadd.f32 v8, v7;
	v7 =	vld [tilespmem:s1+$0xA0]  }
0xe9: {  	v6 =	vmul.f32 $8.000000000e+00, v6;
	v8 =	vadd.f32 v10, v9;
	v9 =	vld [tilespmem:s14+$0xFFFFFF30]  }
0xea: {  	v2 =	vmul.f32 $8.000000000e+00, v2;
	[tilespmem:s0+$0xFFFFFF60] =	vst v4;
	v4 =	vld [tilespmem:s1+$0xFFFFFF30]  }
0xeb: {  	v0 =	vmul.f32 $8.000000000e+00, v0;
	[tilespmem:s0+$0xFFFFFFA0] =	vst v8;
	v10 =	vld [tilespmem:s14+$0xFFFFFF70];
	v5 =	vadd.f32 v5, v6  }
0xec: {  	v6 =	vld [tilespmem:s14+$0xFFFFFFB0];
	v2 =	vadd.f32 v13, v2  }
0xed: {  	v15 =	vld [tilespmem:s1+$0xFFFFFF70];
	[tilespmem:s0+$0x20] =	vst v5;
	v0 =	vadd.f32 v7, v0  }
0xee: {  	[tilespmem:s0+$0x60] =	vst v2;
	v11 =	vld [tilespmem:s14+$0x30]  }
0xef: {  	v63 =	vld [tilespmem:s14+$0x70];
	[tilespmem:s0+$0xA0] =	vst v0  }
0xf0: {  	v0 =	vmul.f32 $8.000000000e+00, v1;
	v14 =	vld [tilespmem:s14+$0xB0]  }
0xf1: {  	v5 =	vld [tilespmem:s1+$0xFFFFFFB0];
	v1 =	vmul.f32 $8.000000000e+00, v9  }
0xf2: {  	v2 =	vadd.f32 v62, v0;
	v0 =	vld [tilespmem:s1+$0xFFFFFFF0]  }
0xf3: {  	v8 =	vmul.f32 $8.000000000e+00, v3;
	v9 =	vmul.f32 $8.000000000e+00, v10;
	v4 =	vadd.f32 v4, v1;
	v1 =	vld [tilespmem:s1+$0x30]  }
0xf4: {  	v3 =	vld [tilespmem:s1+$0x70];
	v7 =	vmul.f32 $8.000000000e+00, v6;
	[tilespmem:s0+$0xF0] =	vst v2;
	v2 =	vmul.f32 $8.000000000e+00, v11  }
0xf5: {  	s31 =	sor.u32 $0x1, s31;
	s12 =	simm.s32 $0x0;
	s14 =	simm.s32 $0xCB00;
	v10 =	vadd.f32 v15, v9;
	v9 =	vld [tilespmem:s1+$0xB0];
	[tilespmem:s0+$0xFFFFFF30] =	vst v4;
	v6 =	vmul.f32 $8.000000000e+00, v63;
	v4 =	vmul.f32 $8.000000000e+00, v14  }
.LBB2_5:
0xf6: {  	v11 =	vld [tilespmem:s14+$0xC0];
	s12 =	sadd.s32 $0x8, s12;
	v5 =	vadd.f32 v5, v7  }
0xf7: {  	s1 =	sadd.s32 $0x200, s1;
	v7 =	vld [tilespmem:s14+$0xFFFFFF40];
	p1 =	slt.u32 s12, $0xC0;
	[tilespmem:s0+$0xFFFFFF70] =	vst v10;
	v0 =	vadd.f32 v0, v8  }
0xf8: {  	v8 =	vld [tilespmem:s1+$0xC0];
	[tilespmem:s0+$0xFFFFFFB0] =	vst v5;
	v1 =	vadd.f32 v1, v2  }
0xf9: {  	v2 =	vld [tilespmem:s14+$0xFFFFFF80];
	[tilespmem:s0+$0xFFFFFFF0] =	vst v0;
	v0 =	vadd.f32 v3, v6  }
0xfa: {  	v3 =	vld [tilespmem:s14+$0xFFFFFFC0];
	[tilespmem:s0+$0x30] =	vst v1;
	v1 =	vadd.f32 v9, v4  }
0xfb: {  	v4 =	vld [tilespmem:s14+$0x0];
	v5 =	vmul.f32 $8.000000000e+00, v11;
	[tilespmem:s0+$0x70] =	vst v0  }
0xfc: {  	v0 =	vmul.f32 $8.000000000e+00, v7;
	v6 =	vld [tilespmem:s14+$0x40];
	[tilespmem:s0+$0xB0] =	vst v1  }
0xfd: {  	v1 =	vld [tilespmem:s14+$0x80];
	v5 =	vadd.f32 v8, v5  }
0xfe: {  	s0 =	sadd.s32 $0x200, s0;
	v7 =	vld [tilespmem:s14+$0xFFFFFF00];
	v2 =	vmul.f32 $8.000000000e+00, v2  }
0xff: {  	v8 =	vld [tilespmem:s1+$0xFFFFFF00];
	v3 =	vmul.f32 $8.000000000e+00, v3;
	[tilespmem:s0+$0xC0] =	vst v5  }
0x100: {  	v4 =	vmul.f32 $8.000000000e+00, v4;
	v5 =	vld [tilespmem:s14+$0xD0]  }
0x101: {  	v9 =	vld [tilespmem:s1+$0xFFFFFF40];
	v6 =	vmul.f32 $8.000000000e+00, v6  }
0x102: {  	v1 =	vmul.f32 $8.000000000e+00, v1;
	v10 =	vld [tilespmem:s1+$0xD0]  }
0x103: {  	v7 =	vmul.f32 $8.000000000e+00, v7;
	v11 =	vld [tilespmem:s1+$0xFFFFFF80]  }
0x104: {  	v12 =	vld [tilespmem:s1+$0xFFFFFFC0]  }
0x105: {  	v7 =	vadd.f32 v8, v7;
	v8 =	vld [tilespmem:s1+$0x0];
	v5 =	vmul.f32 $8.000000000e+00, v5  }
0x106: {  	v0 =	vadd.f32 v9, v0;
	v9 =	vld [tilespmem:s1+$0x40]  }
0x107: {  	[tilespmem:s0+$0xFFFFFF00] =	vst v7;
	v7 =	vld [tilespmem:s1+$0x80];
	v5 =	vadd.f32 v10, v5  }
0x108: {  	v10 =	vld [tilespmem:s14+$0xFFFFFF10];
	[tilespmem:s0+$0xFFFFFF40] =	vst v0;
	v0 =	vadd.f32 v11, v2  }
0x109: {  	v2 =	vld [tilespmem:s14+$0xFFFFFF50];
	v3 =	vadd.f32 v12, v3;
	[tilespmem:s0+$0xD0] =	vst v5  }
0x10a: {  	[tilespmem:s0+$0xFFFFFF80] =	vst v0;
	v0 =	vadd.f32 v8, v4;
	v4 =	vld [tilespmem:s14+$0xE0]  }
0x10b: {  	v5 =	vld [tilespmem:s14+$0xFFFFFF90];
	[tilespmem:s0+$0xFFFFFFC0] =	vst v3;
	v3 =	vadd.f32 v9, v6  }
0x10c: {  	[tilespmem:s0+$0x0] =	vst v0;
	v0 =	vadd.f32 v7, v1;
	v1 =	vld [tilespmem:s1+$0xE0]  }
0x10d: {  	v6 =	vmul.f32 $8.000000000e+00, v10;
	v7 =	vld [tilespmem:s14+$0xFFFFFFD0];
	[tilespmem:s0+$0x40] =	vst v3  }
0x10e: {  	v2 =	vmul.f32 $8.000000000e+00, v2;
	v3 =	vld [tilespmem:s14+$0x10];
	[tilespmem:s0+$0x80] =	vst v0  }
0x10f: {  	v0 =	vld [tilespmem:s14+$0x50];
	v4 =	vmul.f32 $8.000000000e+00, v4  }
0x110: {  	v5 =	vmul.f32 $8.000000000e+00, v5;
	v8 =	vld [tilespmem:s14+$0x90]  }
0x111: {  	v9 =	vld [tilespmem:s1+$0xFFFFFF10];
	v1 =	vadd.f32 v1, v4  }
0x112: {  	v4 =	vld [tilespmem:s1+$0xFFFFFF50];
	v7 =	vmul.f32 $8.000000000e+00, v7  }
0x113: {  	v10 =	vld [tilespmem:s1+$0xFFFFFF90];
	v3 =	vmul.f32 $8.000000000e+00, v3;
	[tilespmem:s0+$0xE0] =	vst v1  }
0x114: {  	v0 =	vmul.f32 $8.000000000e+00, v0;
	v1 =	vld [tilespmem:s14+$0xF0]  }
0x115: {  	v11 =	vld [tilespmem:s1+$0xFFFFFFD0];
	v8 =	vmul.f32 $8.000000000e+00, v8  }
0x116: {  	v6 =	vadd.f32 v9, v6;
	v9 =	vld [tilespmem:s1+$0xF0]  }
0x117: {  	v2 =	vadd.f32 v4, v2;
	v4 =	vld [tilespmem:s1+$0x10]  }
0x118: {  	[tilespmem:s0+$0xFFFFFF10] =	vst v6;
	v5 =	vadd.f32 v10, v5;
	v6 =	vld [tilespmem:s1+$0x50]  }
0x119: {  	[tilespmem:s0+$0xFFFFFF50] =	vst v2;
	v2 =	vld [tilespmem:s1+$0x90];
	v1 =	vmul.f32 $8.000000000e+00, v1  }
0x11a: {  	v10 =	vld [tilespmem:s14+$0xFFFFFF20];
	[tilespmem:s0+$0xFFFFFF90] =	vst v5;
	v5 =	vadd.f32 v11, v7  }
0x11b: {  	v7 =	vld [tilespmem:s14+$0xFFFFFF60];
	v1 =	vadd.f32 v9, v1  }
0x11c: {  	v9 =	vld [tilespmem:s14+$0xFFFFFFA0];
	[tilespmem:s0+$0xFFFFFFD0] =	vst v5;
	v3 =	vadd.f32 v4, v3  }
0x11d: {  	v4 =	vld [tilespmem:s14+$0xFFFFFFE0];
	v0 =	vadd.f32 v6, v0;
	[tilespmem:s0+$0xF0] =	vst v1  }
0x11e: {  	v1 =	vld [tilespmem:s1+$0xFFFFFF20];
	[tilespmem:s0+$0x10] =	vst v3;
	v2 =	vadd.f32 v2, v8  }
0x11f: {  	v3 =	vmul.f32 $8.000000000e+00, v10;
	v5 =	vld [tilespmem:s14+$0x20];
	[tilespmem:s0+$0x50] =	vst v0  }
0x120: {  	v0 =	vmul.f32 $8.000000000e+00, v7;
	v6 =	vld [tilespmem:s14+$0x60];
	[tilespmem:s0+$0x90] =	vst v2  }
0x121: {  	v2 =	vmul.f32 $8.000000000e+00, v9;
	v7 =	vld [tilespmem:s14+$0xA0]  }
0x122: {  	v8 =	vld [tilespmem:s1+$0xFFFFFF60];
	v4 =	vmul.f32 $8.000000000e+00, v4  }
0x123: {  	v1 =	vadd.f32 v1, v3;
	v3 =	vld [tilespmem:s1+$0xFFFFFFA0]  }
0x124: {  	v9 =	vld [tilespmem:s1+$0xFFFFFFE0];
	v5 =	vmul.f32 $8.000000000e+00, v5  }
0x125: {  	[tilespmem:s0+$0xFFFFFF20] =	vst v1;
	v1 =	vld [tilespmem:s1+$0x20];
	v6 =	vmul.f32 $8.000000000e+00, v6  }
0x126: {  	v10 =	vld [tilespmem:s1+$0x60];
	v7 =	vmul.f32 $8.000000000e+00, v7  }
0x127: {  	v0 =	vadd.f32 v8, v0;
	v8 =	vld [tilespmem:s1+$0xA0]  }
0x128: {  	v11 =	vld [tilespmem:s14+$0xFFFFFF30];
	v2 =	vadd.f32 v3, v2  }
0x129: {  	v3 =	vld [tilespmem:s1+$0xFFFFFF30];
	[tilespmem:s0+$0xFFFFFF60] =	vst v0;
	v0 =	vadd.f32 v9, v4  }
0x12a: {  	v4 =	vld [tilespmem:s14+$0xFFFFFF70];
	[tilespmem:s0+$0xFFFFFFA0] =	vst v2;
	v1 =	vadd.f32 v1, v5  }
0x12b: {  	v2 =	vld [tilespmem:s14+$0xFFFFFFB0];
	[tilespmem:s0+$0xFFFFFFE0] =	vst v0;
	v0 =	vadd.f32 v10, v6  }
0x12c: {  	v6 =	vld [tilespmem:s14+$0xFFFFFFF0];
	[tilespmem:s0+$0x20] =	vst v1;
	v1 =	vadd.f32 v8, v7  }
0x12d: {  	v5 =	vmul.f32 $8.000000000e+00, v11;
	v9 =	vld [tilespmem:s14+$0x30];
	[tilespmem:s0+$0x60] =	vst v0  }
0x12e: {  	v10 =	vld [tilespmem:s14+$0x70];
	[tilespmem:s0+$0xA0] =	vst v1  }
0x12f: {  	v0 =	vadd.f32 v3, v5;
	v11 =	vmul.f32 $8.000000000e+00, v4;
	v4 =	vld [tilespmem:s14+$0xB0]  }
0x130: {  	v12 =	vld [tilespmem:s1+$0xFFFFFF70];
	v7 =	vmul.f32 $8.000000000e+00, v2  }
.Ltmp1:
0x131: {  	[tilespmem:s0+$0xFFFFFF30] =	vst v0;
	v5 =	vld [tilespmem:s1+$0xFFFFFFB0];
	v8 =	vmul.f32 $8.000000000e+00, v6;
	(pc) =	sbr.rel @p1 .LBB2_5-.Ltmp1, $4  }
0x132: {  	v0 =	vld [tilespmem:s1+$0xFFFFFFF0];
	v2 =	vmul.f32 $8.000000000e+00, v9  }
0x133: {  	v1 =	vld [tilespmem:s1+$0x30];
	v6 =	vmul.f32 $8.000000000e+00, v10  }
0x134: {  	v3 =	vld [tilespmem:s1+$0x70];
	v4 =	vmul.f32 $8.000000000e+00, v4  }
0x135: {  	s14 =	sadd.s32 $0x200, s14;
	v10 =	vadd.f32 v12, v11;
	v9 =	vld [tilespmem:s1+$0xB0]  }
0x136: {  	v5 =	vadd.f32 v5, v7  }
0x137: {  	[tilespmem:s0+$0xFFFFFF70] =	vst v10;
	v0 =	vadd.f32 v0, v8  }
0x138: {  	[tilespmem:s0+$0xFFFFFFB0] =	vst v5;
	v1 =	vadd.f32 v1, v2  }
0x139: {  	[tilespmem:s0+$0xFFFFFFF0] =	vst v0;
	v62 =	vadd.f32 v3, v6  }
0x13a: {  	[tilespmem:s0+$0x30] =	vst v1;
	v63 =	vadd.f32 v9, v4  }
0x13b: {  	s1 =	simm.s32 @!p0 $0x80;
	[tilespmem:s0+$0x70] =	vst v62  }
0x13c: {  	s12 =	simm.s32 @!p0 $0xC800;
	s14 =	simm.s32 @!p0 $0xE800;
	[tilespmem:s0+$0xB0] =	vst v63;
	s0 =	sadd.s32 @!p0 $0x3458, s30  }
0x13d: {  	[tilespmem:s12], [sflag:$0x2] =	stream.indirect.gather @!p0 [hbm4b:s3+s1], $0x40, s0, s1, $0xb8;
	[tilespmem:$0x15E00] =	vst v63  }
0x13e: {  	s29 =	sadd.s32 $0x1, s29;
	s0 =	sadd.s32 @!p0 $0x34D8, s30;
	s12 =	simm.s32 @!p0 $0x48  }
0x13f: {  	[tilespmem:s14], [sflag:$0x2] =	stream.indirect.gather @!p0 [hbm4b:s3+s12], $0x40, s0, s12, $0xb8;
	[tilespmem:$0x15E00] =	vst v63  }
0x140: {  	p0 =	sne.s32 s29, $0x40  }
.Ltmp2:
0x141: {  	s30 =	sadd.s32 s6, s31;
	(pc) =	sbr.rel @p0 .LBB2_2-.Ltmp2, $3  }
0x142: {  	s1 =	smul.u32 $0xC80, s30;
	_ =	sdelay $0x1  }
0x143: {  	s31 =	sadd.s32 s5, s1  }
0x144: {  	[hbm4b:s31+s21] =	stream.strided.scatter [tilespmem:s24], [sflag:$0x4], $0x3200, s11, s21, $0x38;
	[tilespmem:$0x15E00] =	vst v63  }
0x145: {  	s28 =	sadd.s32 $0x1, s28  }
0x146: {  	_ =	swait.ge [sflag:s25], $0x3200;
	p0 =	sne.s32 s28, s8  }
.Ltmp3:
0x147: {  	[sflag:s25] =	ssyncset.done $0x0;
	(pc) =	sbr.rel @p0 .LBB2_1-.Ltmp3, $4  }
0x148: {  	[sflag:s25] =	ssyncadd.s32 $0xFFFFCE00  }
0x149: {  	_ =	swait.ge [sflag:s26], $0x3200  }
0x14a: {  	[sflag:s26] =	ssyncset.done $0x0  }
0x14b: {  	[sflag:s26] =	ssyncadd.s32 $0xFFFFCE00  }
0x14c: {  	_ =	sfence.sel $0x180000  }
0x14d: {  	[bflag:$0x0] =	sbarrier.arrive $0xFFFF  }
0x14e: {  	_ =	strace $0x90000047  }
0x14f: {  	s0 =	stileid.u32;
	[bflag:$0x2] =	sbarrier.arrive $0xFFFF  }
0x150: {  	p0 =	sne.s32 s0, $0x0;
	s0 =	rddreg [dreg:$0x2]  }
0x151: {  	s0 =	sadd.s32 @!p0 $0x100000, s0  }
0x152: {  	[sflag:s0] =	ssyncadd.tile.s32 @!p0 $0x1;
	_ =	shalt  }
.Lfunc_end2:
_tile_overlayer_lowered:
.L_overlay_start_2:
0x153: {  	(tag) =	ssettag $0x2  }
0x154: {  	s0 =	rddreg [dreg:$0x0];
	s2 =	stileid.u32  }
0x155: {  	s1 =	rddreg [dreg:$0x1];
	p0 =	sne.s32 s2, $0x0  }
0x156: {  	s3 =	rddreg [dreg:$0x2];
	[bflag:$0x3] =	sbarrier.arrive $0xFFFF;
	s2 =	simm.s32 @!p0 $0x1C05  }
0x157: {  	[timem:s3], [sflag:s2] =	dma.local @!p0 [hbm:s0], s1  }
0x158: {  	s0 =	simm.s32 @!p0 $0x5  }
0x159: {  	_ =	swait.ge @!p0 [sflag:s0], s1  }
0x15a: {  	s1 =	ssub.s32 @!p0 $0x0, s1;
	[sflag:s0] =	ssyncset.done @!p0 $0x0  }
0x15b: {  	[sflag:s0] =	ssyncadd.s32 @!p0 s1  }
0x15c: {  	[bflag:$0x3] =	sbarrier.arrive $0xFFFF  }
0x15d: {  	_ =	shalt  }

// kernel: sparse-core-data-format-call.cloned.1.call-start
scs
called_computation_lowered:
.L_overlay_start_0:
0x0: {  	s2 =	sld [smem:$0x3FD9]  }
0x1: {  	s3 =	sld [smem:$0x3FFE];
	_ =	sdelay $0x1  }
0x2: {  	s1 =	srdreg.scid  }
0x3: {  	s0 =	sand.u32 $0x1, s1  }
0x4: {  	s18 =	sshll.u32 s0, $0xA;
	s2 =	sadd.s32 s3, s2  }
0x5: {  	s2 =	sadd.s32 s2, s18  }
0x6: {  	[smem:$0x3FC5] =	sst s2  }
0x7: {  	_ = 	snop  }
0x8: {  	s2 =	sld [smem:$0x3FD0];
	(tm) =	ssettm $0x1  }
0x9: {  	s19 =	sld [smem:$0x3FFB];
	_ =	sdelay $0x3  }
0xa: {  	_ =	strace s19  }
0xb: {  	s3 =	sld [smem:$0x3FFC];
	_ =	sdelay $0x3  }
0xc: {  	_ =	strace s3  }
0xd: {  	s3 =	sld [smem:$0x3FFD];
	_ =	sdelay $0x3  }
0xe: {  	_ =	strace s3  }
0xf: {  	_ =	strace $0x8FFFFFFF  }
0x10: {  	s20 =	sld [smem:$0x3FDB];
	_ =	sdelay $0x1  }
0x11: {  	s4 =	simm.s32 $_scs_section_size  }
0x12: {  	s5 =	simm.s32 $_size__tile_overlayer_lowered;
	s6 =	simm.s32 $_tile_overlayer_lowered  }
0x13: {  	s23 =	simm.s32 $0x1BFF;
	s22 =	sshll.u32 s6, $0x1;
	s3 =	sadd.s32 s4, s20  }
0x14: {  	s7 =	simm.s32 $0x0;
	s21 =	sshll.u32 s5, $0x1;
	s5 =	sadd.s32 s22, s3  }
0x15: {  	[timem:s7], [sflag:s23] =	dma.local [hbm:s5], s21  }
0x16: {  	_ =	swait.ge [sflag:s23], s21  }
0x17: {  	s4 =	ssub.s32 $0x0, s21;
	[sflag:s23] =	ssyncset.done $0x0  }
0x18: {  	[sflag:s23] =	ssyncadd.s32 s4;
	_ =	sdelay $0x1  }
0x19: {  	s24 =	simm.s32 $0x1B8B  }
0x1a: {  	_ =	swait.ge [sflag:s24], $0x1  }
0x1b: {  	[sflag:s24] =	ssyncset.done $0x0  }
0x1c: {  	s26 =	simm.s32 $0x1B8E;
	s25 =	sld [smem:$0x3FFE];
	[sflag:s24] =	ssyncadd.s32 $0xFFFFFFFF  }
0x1d: {  	s27 =	simm.s32 $execute0_lowered;
	[smem:$0x3FD2] =	sst s26  }
0x1e: {  	s5 =	sshll.u32 s27, $0x1;
	_ =	strace $0x80000049;
	[dreg:$0x1] =	wrdreg $0xFFFFFFFF  }
0x1f: {  	s28 =	simm.s32 $_size_execute0_lowered;
	s3 =	sadd.s32 s3, s5;
	[dreg:$0x0] =	wrdreg $0x0  }
0x20: {  	s5 =	sshll.u32 s28, $0x1;
	[dreg:$0x2] =	wrdreg s3  }
0x21: {  	[dreg:$0x3] =	wrdreg s5  }
0x22: {  	[dreg:$0x4] =	wrdreg $0xC0  }
0x23: {  	_ =	task [dreg:s7], $0x5FFFF  }
0x24: {  	[dreg:$0x1] =	wrdreg $0xFFFFFFFF  }
0x25: {  	[dreg:$0x0] =	wrdreg $0x60  }
0x26: {  	[dreg:$0x2] =	wrdreg s25  }
0x27: {  	[dreg:$0x3] =	wrdreg s2  }
0x28: {  	[dreg:$0x4] =	wrdreg $0x9  }
0x29: {  	_ =	task.clear_ibuf [dreg:s7], $0x5FFFF;
	_ =	strace $0x90000049  }
0x2a: {  	s29 =	simm.s32 $0x9;
	_ =	strace $0x8000004B  }
0x2b: {  	_ =	swait.ge [sflag:s29], $0x1  }
0x2c: {  	[sflag:s29] =	ssyncadd.s32 $0xFFFFFFFF  }
0x2d: {  	_ =	strace $0x9000004B  }
0x2e: {  	_ =	sfence  }
0x2f: {  	s30 =	sld [smem:$0x0];
	_ =	sdelay $0x2  }
0x30: {  	s31 =	sshll.u32 s1, $0xD;
	s1 =	sshrl.u32 s1, $0x2  }
0x31: {  	s3 =	sand.u32 $0x4000, s31;
	s1 =	sadd.s32 s1, s30  }
0x32: {  	s0 =	sor.u32 s3, s0;
	s1 =	sshll.u32 s1, $0x11  }
0x33: {  	s0 =	sor.u32 s1, s0  }
0x34: {  	s0 =	sadd.s32 $0x8F2B, s0  }
0x35: {  	[sflag:s0] =	ssyncadd.remote.s32 $0x1  }
0x36: {  	_ =	sfence.sel $0xFFFF  }
0x37: {  	[dreg:$0x0] =	wrdreg $0xFFFFFFFF;
	(pc) =	sbr.abs _section_cstart, $3  }
0x38: {  	[dreg:$0x1] =	wrdreg $0xFFFFFFFF  }
0x39: {  	_ =	task.clear_ibuf [dreg:s7], $0x2FFFF;
	_ =	strace $0x9FFFFFFF  }
0x3a: {  	(tm) =	ssettm $0x7FFFFFFF  }
0x3b: {  	_ =	shalt  }
tec
execute0_lowered:
.L_overlay_start_1:
0x0: {  	(tag) =	ssettag $0x1  }
0x1: {  	s0 =	srdreg.scid  }
0x2: {  	s1 =	sshll.u32 s0, $0x4  }
0x3: {  	s0 =	stileid.u32;
	s1 =	sand.u32 $0x10, s1  }
0x4: {  	s1 =	sor.u32 s0, s1  }
0x5: {  	s6 =	rddreg [dreg:$0x0];
	s4 =	simm.s32 $0x1;
	s2 =	sshll.u32 s1, $0x7  }
0x6: {  	s7 =	simm.s32 $0x2;
	s12 =	simm.s32 $0x0;
	s1 =	ssub.s32 $0x1000, s2  }
0x7: {  	s8 =	simm.s32 $0x8000;
	s13 =	simm.s32 $0x0;
	s3 =	sand.u32 $0xF80, s1  }
0x8: {  	s9 =	simm.s32 $0x0;
	s5 =	sshrl.u32 s1, $0xC;
	p0 =	sne.s32 s3, $0x0  }
.Ltmp0:
0x9: {  	s1 =	rddreg [dreg:$0x2];
	s4 =	simm.s32 @!p0 $0x0;
	(pc) =	sbr.rel .LBB1_1-.Ltmp0, $4  }
0xa: {  	s11 =	simm.s32 $0x0;
	s3 =	rddreg [dreg:$0x1];
	s5 =	sadd.s32 s4, s5  }
0xb: {  	_ =	strace $0x8000004A;
	s4 =	simm.s32 $0x1;
	s5 =	smul.u32 $0xC8, s5  }
0xc: {  	s6 =	sadd.s32 $0x2C00, s6;
	s10 =	smov.u32 s2;
	[sflag:s4] =	ssyncpa.u1 $0x0  }
0xd: {  	p0 =	por $0x0, $0x0;
	[sflag:s7] =	ssyncpa.u1 $0x0;
	s7 =	sor.u32 $0x1, s5  }
.LBB1_4:
0xe: {  	s16 =	sshll.u32 s13, $0x3;
	s17 =	sand.u32 $0x78, s13  }
0xf: {  	s30 =	sand.u32 $0x7E00, s13;
	s12 =	sshll.u32 s12, $0xF;
	s16 =	sand.u32 $0xC00, s16  }
0x10: {  	[tilespmem:s15+$0x810 ss:$0x81] =	vst.msk $0xffff, v2;
	s31 =	sand.u32 $0x7, s13;
	s16 =	sor.u32 s17, s16;
	s17 =	sadd.s32 s3, s30  }
0x11: {  	[tilespmem:s15+$0x1020 ss:$0x81] =	vst.msk $0xffff, v0;
	s13 =	sshll.u32 s31, $0x12;
	s12 =	sadd.s32 s12, s17;
	s16 =	sshrl.u32 s16, $0x3  }
0x12: {  	[tilespmem:s15+$0x0 ss:$0x81] =	vst.msk $0xffff, v1;
	s13 =	sor.u32 $0x400, s13;
	s12 =	sadd.s32 s16, s12  }
0x13: {  	[hbm4b:s12+s13] =	stream.strided.scatter [tilespmem:s14], [sflag:$0x2], $0x2000, s8, s13, $0x20;
	[tilespmem:$0x8080] =	vst v63  }
.LBB1_5:
0x14: {  	s14 =	sadd.s32 $0x1, s9  }
0x15: {  	s12 =	sadd.s32 $0x1000, s10;
	s16 =	smov.u32 s10;
	p2 =	sgt.s32 s14, $0xC7  }
0x16: {  	s16 =	smov.u32 @p2 s12  }
0x17: {  	s14 =	simm.s32 @p2 $0x0;
	p2 =	sgt.s32 s16, $0xFFF  }
0x18: {  	s16 =	smov.u32 @p2 s2;
	p2 =	sne.s32 s11, s7  }
.Ltmp1:
0x19: {  	p1 =	slt.u32 s11, $0x2;
	(pc) =	sbr.rel @!p2 .LBB1_6-.Ltmp1, $4  }
0x1a: {  	s15 =	simm.s32 @!p1 $0x2  }
0x1b: {  	s13 =	smov.u32 s10;
	p0 =	por !p0, !p0;
	_ =	swait.ge @!p1 [sflag:s15], $0x2000  }
0x1c: {  	s12 =	smov.u32 s9;
	[sflag:s15] =	ssyncset.done @!p1 $0x0;
	s9 =	smov.u32 s14  }
0x1d: {  	s11 =	sadd.s32 $0x1, s11;
	[sflag:s15] =	ssyncadd.s32 @!p1 $0xFFFFE000;
	s10 =	smov.u32 s16  }
.LBB1_1:
0x1e: {  	p1 =	sge.u32 s11, s5  }
0x1f: {  	s14 =	sand.u32 @!p1 $0x1FFFFFF, s9  }
0x20: {  	s15 =	smulhi.u32 @!p1 $0x147AE15, s14;
	_ =	sdelay $0x1  }
0x21: {  	s15 =	smul.u32 @!p1 $0xC8, s15  }
0x22: {  	s16 =	sxor.u32 @!p1 $0xFFFFFFFF, s11;
	s17 =	smul.u32 @!p1 $0xC80, s10  }
0x23: {  	s31 =	sadd.s32 $0xFFFFFFFF, s11;
	s16 =	sshll.u32 @!p1 s16, $0xD;
	s14 =	ssub.s32 @!p1 s14, s15  }
0x24: {  	s15 =	sand.u32 @!p1 $0x2000, s16;
	s16 =	sadd.s32 @!p1 s6, s17;
	s14 =	sshll.u32 @!p1 s14, $0x4  }
0x25: {  	s17 =	simm.s32 @!p1 $0x6400;
	s14 =	sadd.s32 @!p1 s14, s16;
	s16 =	simm.s32 @!p1 $0x40  }
0x26: {  	[tilespmem:s15], [sflag:$0x1] =	stream.strided.gather @!p1 [hbm4b:s14+s16], $0x2000, s17, s16, $0x38;
	[tilespmem:$0x8080] =	vst v63  }
0x27: {  	p1 =	sge.u32 s31, s5  }
.Ltmp2:
0x28: {  	_ = 	snop;
	(pc) =	sbr.rel @p1 .LBB1_5-.Ltmp2, $1  }
0x29: {  	_ =	sdelay $0x3  }
0x2a: {  	s14 =	simm.s32 $0x1  }
0x2b: {  	_ =	swait.ge [sflag:s4], $0x2000;
	s14 =	simm.s32 @!p0 $0x0  }
0x2c: {  	[sflag:s4] =	ssyncset.done $0x0;
	s15 =	sshll.u32 s14, $0xD  }
0x2d: {  	[sflag:s4] =	ssyncadd.s32 $0xFFFFE000;
	s18 =	sor.u32 $0x20, s15  }
0x2e: {  	s14 =	smul.u32 $0x8100, s14;
	v3 =	vld [tilespmem:s18+$0x10]  }
0x2f: {  	s30 =	sand.u32 $0x1, s11;
	v2 =	vld [tilespmem:s18+$0xFFFFFFF0]  }
0x30: {  	s15 =	smul.u32 $0x8100, s30;
	s14 =	sshrl.u32 s14, $0x2;
	v0 =	vld [tilespmem:s18+$0x0]  }
0x31: {  	v1 =	vld [tilespmem:s18+$0xFFFFFFE0];
	s16 =	sor.u32 $0x4000, s14  }
0x32: {  	s31 =	sshrl.u32 s15, $0x2;
	s15 =	sadd.s32 $0x0, s16  }
0x33: {  	s17 =	simm.s32 $0x4;
	s18 =	sadd.s32 $0x40, s18;
	s14 =	sor.u32 $0x4000, s31;
	[tilespmem:s15+$0x1830 ss:$0x81] =	vst.msk $0xffff, v3  }
.LBB1_3:
0x34: {  	v3 =	vld [tilespmem:s18+$0x10];
	p1 =	sne.s32 s17, $0x1FC;
	[tilespmem:s15+$0x810 ss:$0x81] =	vst.msk $0xffff, v2;
	s19 =	smov.u32 s17;
	s17 =	sadd.s32 $0x4, s17  }
.Ltmp3:
0x35: {  	v2 =	vld [tilespmem:s18+$0xFFFFFFF0];
	[tilespmem:s15+$0x1020 ss:$0x81] =	vst.msk $0xffff, v0;
	(pc) =	sbr.rel @p1 .LBB1_3-.Ltmp3, $4  }
0x36: {  	v0 =	vld [tilespmem:s18+$0x0];
	[tilespmem:s15+$0x0 ss:$0x81] =	vst.msk $0xffff, v1  }
0x37: {  	s15 =	sshra.s32 s19, $0x2;
	v1 =	vld [tilespmem:s18+$0xFFFFFFE0]  }
0x38: {  	s15 =	sadd.s32 s15, s16  }
0x39: {  	s18 =	sadd.s32 $0x40, s18;
	[tilespmem:s15+$0x1830 ss:$0x81] =	vst.msk $0xffff, v3  }
.Ltmp4:
0x3a: {  	_ = 	snop;
	(pc) =	sbr.rel .LBB1_4-.Ltmp4, $1  }
0x3b: {  	_ =	sdelay $0x3  }
.LBB1_6:
0x3c: {  	_ =	sfence.sel $0x180000  }
0x3d: {  	s2 =	simm.s32 $0x1;
	[bflag:$0x0] =	sbarrier.arrive $0xFFFF  }
0x3e: {  	s31 =	simm.s32 $0x2;
	[sflag:s2] =	ssyncpa.u1 $0x1  }
0x3f: {  	[sflag:s31] =	ssyncpa.u1 $0x1  }
0x40: {  	p0 =	sne.s32 s0, $0x0;
	_ =	strace $0x9000004A  }
0x41: {  	s0 =	sadd.s32 @!p0 $0x100000, s1;
	[bflag:$0x2] =	sbarrier.arrive $0xFFFF  }
0x42: {  	[sflag:s0] =	ssyncadd.tile.s32 @!p0 $0x1;
	_ =	shalt  }
.Lfunc_end1:
_tile_overlayer_lowered:
.L_overlay_start_2:
0x43: {  	(tag) =	ssettag $0x2  }
0x44: {  	s0 =	rddreg [dreg:$0x0];
	s2 =	stileid.u32  }
0x45: {  	s1 =	rddreg [dreg:$0x1];
	p0 =	sne.s32 s2, $0x0  }
0x46: {  	s3 =	rddreg [dreg:$0x2];
	[bflag:$0x3] =	sbarrier.arrive $0xFFFF;
	s2 =	simm.s32 @!p0 $0x1C01  }
0x47: {  	[timem:s3], [sflag:s2] =	dma.local @!p0 [hbm:s0], s1  }
0x48: {  	s0 =	simm.s32 @!p0 $0x1  }
0x49: {  	_ =	swait.ge @!p0 [sflag:s0], s1  }
0x4a: {  	s1 =	ssub.s32 @!p0 $0x0, s1;
	[sflag:s0] =	ssyncset.done @!p0 $0x0  }
0x4b: {  	[sflag:s0] =	ssyncadd.s32 @!p0 s1  }
0x4c: {  	[bflag:$0x3] =	sbarrier.arrive $0xFFFF  }
0x4d: {  	_ =	shalt  }

</sc_bundles>
